<compile_context>
chip_gen: v7x
topology: tpu7x:2x2x1
jax: 0.10.2.dev20260603
libtpu: 0.0.44.dev20260713+nightly
codegen_flags: <defaults>
</compile_context>

<pallas_src>
import functools

import jax
import jax.numpy as jnp
from jax import lax
from jax.experimental import pallas as pl
from jax.experimental.pallas import tpu as pltpu
from jax.experimental.pallas import tpu_sc as plsc

TOTAL_TOKENS = 1024
RETAIN = 256
BATCH = 64
C = 768
CL = C // 128

ROWS = BATCH * TOTAL_TOKENS
ROWS_Z = BATCH * (TOTAL_TOKENS - RETAIN)
NW = 32
RPW = ROWS_Z // NW
CHUNK = 32
NCH = RPW // CHUNK
NBUF = 4

ZT = TOTAL_TOKENS - RETAIN
W = 16
L = 12


def _build_z_kernel():
    info = plsc.get_sparse_core_info()
    nc = info.num_cores
    mesh = plsc.VectorSubcoreMesh(core_axis_name="c", subcore_axis_name="s")

    @functools.partial(
        pl.kernel,
        mesh=mesh,
        out_type=jax.ShapeDtypeStruct((ROWS_Z, C), jnp.float32),
        scratch_types=(
            [pltpu.VMEM((NCH, CHUNK), jnp.int32)]
            + [pltpu.VMEM((CHUNK, C), jnp.float32) for _ in range(NBUF)]
            + [pltpu.SemaphoreType.DMA for _ in range(2 * NBUF)]
        ),
    )
    def z_kernel(x_hbm, idx_hbm, z_hbm, idx_v, *bufs_and_sems):
        bufs = bufs_and_sems[:NBUF]
        gsem = bufs_and_sems[NBUF : 2 * NBUF]
        ssem = bufs_and_sems[2 * NBUF :]
        w = lax.axis_index("s") * nc + lax.axis_index("c")
        pltpu.sync_copy(idx_hbm.at[w], idx_v)
        obase = w * RPW

        def gather(c, b):
            return pltpu.make_async_copy(x_hbm.at[idx_v.at[c]], bufs[b], gsem[b])

        def store(c, b):
            return pltpu.make_async_copy(
                bufs[b], z_hbm.at[pl.ds(obase + c * CHUNK, CHUNK)], ssem[b]
            )

        for b in range(NBUF - 1):
            gather(b, b).start()

        def body(i, carry):
            for b in range(NBUF):
                cc = NBUF * i + b
                gather(cc, b).wait()
                store(cc, b).start()
                nb = (b + NBUF - 1) % NBUF

                @pl.when(cc + NBUF - 1 < NCH)
                def _():
                    @pl.when(cc >= 1)
                    def _():
                        store(cc - 1, nb).wait()

                    gather(cc + NBUF - 1, nb).start()

            return carry

        lax.fori_loop(0, NCH // NBUF, body, 0)
        for b in range(NBUF):
            store(NCH - NBUF + b, (NCH - NBUF + b) % NBUF).wait()

    return z_kernel


_z_kernel = _build_z_kernel()


def _y_tc_kernel(idx_ref, x_ref, y_ref, *bufs_and_sems):
    bufs = bufs_and_sems[:W]
    isem = bufs_and_sems[W : 2 * W]
    osem = bufs_and_sems[2 * W :]

    def copy_in(t, k):
        return pltpu.make_async_copy(x_ref.at[:, idx_ref[t]], bufs[k], isem[k])

    def copy_out(t, k):
        return pltpu.make_async_copy(bufs[k], y_ref.at[:, t], osem[k])

    for t in range(L):
        copy_in(t, t % W).start()

    def body(i, carry):
        for b in range(W):
            t = W * i + b
            copy_in(t, b).wait()
            copy_out(t, b).start()
            tt = t + L
            kk = (b + L) % W

            @pl.when(tt < RETAIN)
            def _():
                @pl.when(tt >= W)
                def _():
                    copy_out(tt - W, kk).wait()

                copy_in(tt, kk).start()

        return carry

    lax.fori_loop(0, RETAIN // W, body, 0)
    for b in range(W):
        copy_out(RETAIN - W + b, (RETAIN - W + b) % W).wait()


_y_copy = pl.pallas_call(
    _y_tc_kernel,
    out_shape=jax.ShapeDtypeStruct((BATCH, RETAIN, C), jnp.float32),
    in_specs=[
        pl.BlockSpec(memory_space=pltpu.SMEM),
        pl.BlockSpec(memory_space=pl.ANY),
    ],
    out_specs=pl.BlockSpec(memory_space=pl.ANY),
    scratch_shapes=(
        [pltpu.VMEM((BATCH, C), jnp.float32) for _ in range(W)]
        + [pltpu.SemaphoreType.DMA for _ in range(2 * W)]
    ),
)


def kernel(x):
    perm = jax.random.permutation(jax.random.key(1), TOTAL_TOKENS)
    row_base = (jnp.arange(BATCH, dtype=jnp.int32) * TOTAL_TOKENS)[:, None]
    idx_z = (
        (row_base + perm[None, RETAIN:])
        .reshape(-1)
        .astype(jnp.int32)
        .reshape(NW, NCH, CHUNK)
    )
    idx_y = perm[:RETAIN].astype(jnp.int32)

    z_flat = _z_kernel(x.reshape(ROWS, C), idx_z)
    y = _y_copy(idx_y, x)
    return (y, z_flat.reshape(BATCH, ZT, C))

# --- scband reference (transcript-rebuilt; emitter-appended) ---
"""Pipeline reference for scband-sampler-5111011083071 (READ-ONLY COPY).

The authoritative reference and input builder live on the scoring server;
editing this copy changes nothing except your own understanding.
"""

import jax, jax.numpy as jnp
import numpy as np

TOTAL_TOKENS = 1024
MASK_PER = 25
RETAIN = TOTAL_TOKENS * MASK_PER // 100  # 256
BATCH = 64
C = 768


def setup_inputs(seed: int = 0) -> dict:
    key = jax.random.key(seed)
    x = jax.random.normal(key, (BATCH, TOTAL_TOKENS, C), dtype=jnp.float32)
    return {"x": x}


def reference(x):
    # Sampler.shuffle: draw a random permutation of token positions,
    # gather tokens along dim 1 according to the permutation (broadcast over
    # batch and channel dims, matching repeat(perm, 't -> b t c')), then split
    # into retained tokens y and masked-out tokens z.
    perm = jax.random.permutation(jax.random.key(1), TOTAL_TOKENS)
    xg = jnp.take(x, perm, axis=1)
    y = xg[:, :RETAIN, :]
    z = xg[:, RETAIN:, :]
    return (y, z)

if __name__ == "__main__":
    import jax
    _d = setup_inputs()
    print(jax.jit(kernel)(*tuple(_d.values())))

</pallas_src>

<mosaic_0001>
#map = affine_map<(d0, d1) -> (0, 0)>
#map1 = affine_map<(d0, d1) -> (0, 0, 0)>
module attributes {stable_mosaic.version = 14 : i64} {
  func.func @z_kernel(%arg0: i32, %arg1: i32, %arg2: memref<65536x768xf32, #tpu.memory_space<hbm>>, %arg3: memref<32x48x32xi32, #tpu.memory_space<hbm>>, %arg4: memref<49152x768xf32, #tpu.memory_space<hbm>>, %arg5: memref<48x32xi32, #tpu.memory_space<vmem>>, %arg6: memref<32x768xf32, #tpu.memory_space<vmem>>, %arg7: memref<32x768xf32, #tpu.memory_space<vmem>>, %arg8: memref<32x768xf32, #tpu.memory_space<vmem>>, %arg9: memref<32x768xf32, #tpu.memory_space<vmem>>, %arg10: memref<!tpu.dma_semaphore, #tpu.memory_space<semaphore_mem>>, %arg11: memref<!tpu.dma_semaphore, #tpu.memory_space<semaphore_mem>>, %arg12: memref<!tpu.dma_semaphore, #tpu.memory_space<semaphore_mem>>, %arg13: memref<!tpu.dma_semaphore, #tpu.memory_space<semaphore_mem>>, %arg14: memref<!tpu.dma_semaphore, #tpu.memory_space<semaphore_mem>>, %arg15: memref<!tpu.dma_semaphore, #tpu.memory_space<semaphore_mem>>, %arg16: memref<!tpu.dma_semaphore, #tpu.memory_space<semaphore_mem>>, %arg17: memref<!tpu.dma_semaphore, #tpu.memory_space<semaphore_mem>>) attributes {dimension_semantics = [#tpu.dimension_semantics<core_parallel>, #tpu.dimension_semantics<subcore_parallel>], iteration_bounds = array<i64: 2, 16>, scalar_prefetch = 0 : i64, scratch_operands = 13 : i64, tpu.core_type = #tpu.core_type<sc_vector_subcore>, window_params = [{transform_indices = #map}, {transform_indices = #map1}, {transform_indices = #map}]} {
    %mul3A = arith.constant 2 : i32
    %mul3A_0 = arith.muli %arg1, %mul3A : i32
    %add3A = arith.addi %mul3A_0, %arg0 : i32
    "tpu.region"() ({
      %run_scoped3A = tpu.sem_alloc : memref<!tpu.dma_semaphore, #tpu.memory_space<semaphore_mem>>
      %dma_start3A_51 = arith.constant 0 : i32
      %dma_start3A_52 = arith.constant 0 : i32
      %dma_start3A_53 = tpu.memref_slice %arg3[%add3A, %dma_start3A_51, %dma_start3A_52] : memref<32x48x32xi32, #tpu.memory_space<hbm>> -> memref<1x48x32xi32, #tpu.memory_space<hbm>>
      %dma_start3A_54 = tpu.memref_squeeze %dma_start3A_53 : memref<1x48x32xi32, #tpu.memory_space<hbm>> -> memref<48x32xi32, #tpu.memory_space<hbm>>
      %dma_start3A_55 = arith.constant 0 : i32
      %dma_start3A_56 = arith.constant 0 : i32
      %dma_start3A_57 = tpu.memref_slice %arg3[%add3A, %dma_start3A_55, %dma_start3A_56] : memref<32x48x32xi32, #tpu.memory_space<hbm>> -> memref<1x48x32xi32, #tpu.memory_space<hbm>>
      %dma_start3A_58 = tpu.memref_squeeze %dma_start3A_57 : memref<1x48x32xi32, #tpu.memory_space<hbm>> -> memref<48x32xi32, #tpu.memory_space<hbm>>
      tpu.enqueue_dma source(%dma_start3A_58 : memref<48x32xi32, #tpu.memory_space<hbm>>) target(%arg5 : memref<48x32xi32, #tpu.memory_space<vmem>>) target_semaphore(%run_scoped3A : memref<!tpu.dma_semaphore, #tpu.memory_space<semaphore_mem>>)
      %dma_wait3A_59 = arith.constant 0 : i32
      %dma_wait3A_60 = arith.constant 0 : i32
      %dma_wait3A_61 = tpu.memref_slice %arg3[%add3A, %dma_wait3A_59, %dma_wait3A_60] : memref<32x48x32xi32, #tpu.memory_space<hbm>> -> memref<1x48x32xi32, #tpu.memory_space<hbm>>
      %dma_wait3A_62 = tpu.memref_squeeze %dma_wait3A_61 : memref<1x48x32xi32, #tpu.memory_space<hbm>> -> memref<48x32xi32, #tpu.memory_space<hbm>>
      %dma_wait3A_63 = arith.constant 0 : i32
      %dma_wait3A_64 = arith.constant 0 : i32
      %dma_wait3A_65 = tpu.memref_slice %arg3[%add3A, %dma_wait3A_63, %dma_wait3A_64] : memref<32x48x32xi32, #tpu.memory_space<hbm>> -> memref<1x48x32xi32, #tpu.memory_space<hbm>>
      %dma_wait3A_66 = tpu.memref_squeeze %dma_wait3A_65 : memref<1x48x32xi32, #tpu.memory_space<hbm>> -> memref<48x32xi32, #tpu.memory_space<hbm>>
      tpu.wait_dma2 semaphore(%run_scoped3A : memref<!tpu.dma_semaphore, #tpu.memory_space<semaphore_mem>>) src(%dma_wait3A_66 : memref<48x32xi32, #tpu.memory_space<hbm>>) dst(%arg5 : memref<48x32xi32, #tpu.memory_space<vmem>>)
      tpu.yield
    }) : () -> ()
    %mul3A_1 = arith.constant 1536 : i32
    %mul3A_2 = arith.muli %add3A, %mul3A_1 : i32
    %dma_start3A = arith.constant 0 : i32
    %dma_start3A_3 = arith.constant 0 : i32
    %dma_start3A_4 = tpu.memref_slice %arg5[%dma_start3A, %dma_start3A_3] : memref<48x32xi32, #tpu.memory_space<vmem>> -> memref<1x32xi32, #tpu.memory_space<vmem>>
    %dma_start3A_5 = tpu.memref_squeeze %dma_start3A_4 : memref<1x32xi32, #tpu.memory_space<vmem>> -> memref<32xi32, #tpu.memory_space<vmem>>
    %dma_start3A_6 = arith.constant 0 : i32
    %dma_start3A_7 = arith.constant 0 : i32
    %dma_start3A_8 = tpu.memref_slice %arg2[%dma_start3A_6, %dma_start3A_7] : memref<65536x768xf32, #tpu.memory_space<hbm>> -> memref<65536x768xf32, #tpu.memory_space<hbm>>
    tpu.enqueue_indirect_dma source(%dma_start3A_8 : memref<65536x768xf32, #tpu.memory_space<hbm>>) target(%arg6 : memref<32x768xf32, #tpu.memory_space<vmem>>) offsets(%dma_start3A_5 : memref<32xi32, #tpu.memory_space<vmem>>) semaphore(%arg10 : memref<!tpu.dma_semaphore, #tpu.memory_space<semaphore_mem>>)
    %dma_start3A_9 = arith.constant 1 : i32
    %dma_start3A_10 = arith.constant 0 : i32
    %dma_start3A_11 = tpu.memref_slice %arg5[%dma_start3A_9, %dma_start3A_10] : memref<48x32xi32, #tpu.memory_space<vmem>> -> memref<1x32xi32, #tpu.memory_space<vmem>>
    %dma_start3A_12 = tpu.memref_squeeze %dma_start3A_11 : memref<1x32xi32, #tpu.memory_space<vmem>> -> memref<32xi32, #tpu.memory_space<vmem>>
    %dma_start3A_13 = arith.constant 0 : i32
    %dma_start3A_14 = arith.constant 0 : i32
    %dma_start3A_15 = tpu.memref_slice %arg2[%dma_start3A_13, %dma_start3A_14] : memref<65536x768xf32, #tpu.memory_space<hbm>> -> memref<65536x768xf32, #tpu.memory_space<hbm>>
    tpu.enqueue_indirect_dma source(%dma_start3A_15 : memref<65536x768xf32, #tpu.memory_space<hbm>>) target(%arg7 : memref<32x768xf32, #tpu.memory_space<vmem>>) offsets(%dma_start3A_12 : memref<32xi32, #tpu.memory_space<vmem>>) semaphore(%arg11 : memref<!tpu.dma_semaphore, #tpu.memory_space<semaphore_mem>>)
    %dma_start3A_16 = arith.constant 2 : i32
    %dma_start3A_17 = arith.constant 0 : i32
    %dma_start3A_18 = tpu.memref_slice %arg5[%dma_start3A_16, %dma_start3A_17] : memref<48x32xi32, #tpu.memory_space<vmem>> -> memref<1x32xi32, #tpu.memory_space<vmem>>
    %dma_start3A_19 = tpu.memref_squeeze %dma_start3A_18 : memref<1x32xi32, #tpu.memory_space<vmem>> -> memref<32xi32, #tpu.memory_space<vmem>>
    %dma_start3A_20 = arith.constant 0 : i32
    %dma_start3A_21 = arith.constant 0 : i32
    %dma_start3A_22 = tpu.memref_slice %arg2[%dma_start3A_20, %dma_start3A_21] : memref<65536x768xf32, #tpu.memory_space<hbm>> -> memref<65536x768xf32, #tpu.memory_space<hbm>>
    tpu.enqueue_indirect_dma source(%dma_start3A_22 : memref<65536x768xf32, #tpu.memory_space<hbm>>) target(%arg8 : memref<32x768xf32, #tpu.memory_space<vmem>>) offsets(%dma_start3A_19 : memref<32xi32, #tpu.memory_space<vmem>>) semaphore(%arg12 : memref<!tpu.dma_semaphore, #tpu.memory_space<semaphore_mem>>)
    %scan3A = arith.constant 0 : i32
    %scan3A_23 = arith.constant 0 : i32
    %scan3A_24 = arith.constant 12 : i32
    %scan3A_25 = arith.addi %scan3A_23, %scan3A_24 : i32
    %scan3A_26 = arith.constant 1 : i32
    scf.for %scan3A_51 = %scan3A_23 to %scan3A_25 step %scan3A_26  : i32 {
      %mul3A_52 = arith.constant 4 : i32
      %mul3A_53 = arith.muli %mul3A_52, %scan3A_51 : i32
      %add3A_54 = arith.constant 0 : i32
      %add3A_55 = arith.addi %mul3A_53, %add3A_54 : i32
      %dma_wait3A_56 = arith.constant 0 : i32
      %dma_wait3A_57 = tpu.memref_slice %arg5[%add3A_55, %dma_wait3A_56] : memref<48x32xi32, #tpu.memory_space<vmem>> -> memref<1x32xi32, #tpu.memory_space<vmem>>
      %dma_wait3A_58 = tpu.memref_squeeze %dma_wait3A_57 : memref<1x32xi32, #tpu.memory_space<vmem>> -> memref<32xi32, #tpu.memory_space<vmem>>
      %dma_wait3A_59 = arith.constant 0 : i32
      %dma_wait3A_60 = arith.constant 0 : i32
      %dma_wait3A_61 = tpu.memref_slice %arg2[%dma_wait3A_59, %dma_wait3A_60] : memref<65536x768xf32, #tpu.memory_space<hbm>> -> memref<65536x768xf32, #tpu.memory_space<hbm>>
      tpu.wait_indirect_dma semaphore(%arg10 : memref<!tpu.dma_semaphore, #tpu.memory_space<semaphore_mem>>) src(%dma_wait3A_61 : memref<65536x768xf32, #tpu.memory_space<hbm>>) dst(%arg6 : memref<32x768xf32, #tpu.memory_space<vmem>>)
      %mul3A_62 = arith.constant 32 : i32
      %mul3A_63 = arith.muli %add3A_55, %mul3A_62 : i32
      %add3A_64 = arith.addi %mul3A_2, %mul3A_63 : i32
      %dma_start3A_65 = arith.constant 0 : i32
      %dma_start3A_66 = tpu.memref_slice %arg4[%add3A_64, %dma_start3A_65] : memref<49152x768xf32, #tpu.memory_space<hbm>> -> memref<32x768xf32, #tpu.memory_space<hbm>>
      %dma_start3A_67 = arith.constant 0 : i32
      %dma_start3A_68 = tpu.memref_slice %arg4[%add3A_64, %dma_start3A_67] : memref<49152x768xf32, #tpu.memory_space<hbm>> -> memref<32x768xf32, #tpu.memory_space<hbm>>
      tpu.enqueue_dma source(%arg6 : memref<32x768xf32, #tpu.memory_space<vmem>>) target(%dma_start3A_68 : memref<32x768xf32, #tpu.memory_space<hbm>>) target_semaphore(%arg14 : memref<!tpu.dma_semaphore, #tpu.memory_space<semaphore_mem>>)
      %add3A_69 = arith.constant 4 : i32
      %add3A_70 = arith.addi %add3A_55, %add3A_69 : i32
      %sub3A = arith.constant 1 : i32
      %sub3A_71 = arith.subi %add3A_70, %sub3A : i32
      %lt3A = arith.constant 48 : i32
      %lt3A_72 = arith.cmpi slt, %sub3A_71, %lt3A : i32
      %convert_element_type3A = arith.extui %lt3A_72 : i1 to i32
      %cond3A = arith.constant 0 : i32
      %cond3A_73 = arith.cmpi ne, %convert_element_type3A, %cond3A : i32
      scf.if %cond3A_73 {
        %ge3A = arith.constant 1 : i32
        %ge3A_152 = arith.cmpi sge, %add3A_55, %ge3A : i32
        %convert_element_type3A_153 = arith.extui %ge3A_152 : i1 to i32
        %cond3A_154 = arith.constant 0 : i32
        %cond3A_155 = arith.cmpi ne, %convert_element_type3A_153, %cond3A_154 : i32
        scf.if %cond3A_155 {
          %sub3A_166 = arith.constant 1 : i32
          %sub3A_167 = arith.subi %add3A_55, %sub3A_166 : i32
          %mul3A_168 = arith.constant 32 : i32
          %mul3A_169 = arith.muli %sub3A_167, %mul3A_168 : i32
          %add3A_170 = arith.addi %mul3A_2, %mul3A_169 : i32
          %dma_wait3A_171 = arith.constant 0 : i32
          %dma_wait3A_172 = tpu.memref_slice %arg4[%add3A_170, %dma_wait3A_171] : memref<49152x768xf32, #tpu.memory_space<hbm>> -> memref<32x768xf32, #tpu.memory_space<hbm>>
          %dma_wait3A_173 = arith.constant 0 : i32
          %dma_wait3A_174 = tpu.memref_slice %arg4[%add3A_170, %dma_wait3A_173] : memref<49152x768xf32, #tpu.memory_space<hbm>> -> memref<32x768xf32, #tpu.memory_space<hbm>>
          tpu.wait_dma2 semaphore(%arg17 : memref<!tpu.dma_semaphore, #tpu.memory_space<semaphore_mem>>) src(%arg9 : memref<32x768xf32, #tpu.memory_space<vmem>>) dst(%dma_wait3A_174 : memref<32x768xf32, #tpu.memory_space<hbm>>)
        } else {
        }
        %add3A_156 = arith.constant 4 : i32
        %add3A_157 = arith.addi %add3A_55, %add3A_156 : i32
        %sub3A_158 = arith.constant 1 : i32
        %sub3A_159 = arith.subi %add3A_157, %sub3A_158 : i32
        %dma_start3A_160 = arith.constant 0 : i32
        %dma_start3A_161 = tpu.memref_slice %arg5[%sub3A_159, %dma_start3A_160] : memref<48x32xi32, #tpu.memory_space<vmem>> -> memref<1x32xi32, #tpu.memory_space<vmem>>
        %dma_start3A_162 = tpu.memref_squeeze %dma_start3A_161 : memref<1x32xi32, #tpu.memory_space<vmem>> -> memref<32xi32, #tpu.memory_space<vmem>>
        %dma_start3A_163 = arith.constant 0 : i32
        %dma_start3A_164 = arith.constant 0 : i32
        %dma_start3A_165 = tpu.memref_slice %arg2[%dma_start3A_163, %dma_start3A_164] : memref<65536x768xf32, #tpu.memory_space<hbm>> -> memref<65536x768xf32, #tpu.memory_space<hbm>>
        tpu.enqueue_indirect_dma source(%dma_start3A_165 : memref<65536x768xf32, #tpu.memory_space<hbm>>) target(%arg9 : memref<32x768xf32, #tpu.memory_space<vmem>>) offsets(%dma_start3A_162 : memref<32xi32, #tpu.memory_space<vmem>>) semaphore(%arg13 : memref<!tpu.dma_semaphore, #tpu.memory_space<semaphore_mem>>)
      } else {
      }
      %mul3A_74 = arith.constant 4 : i32
      %mul3A_75 = arith.muli %mul3A_74, %scan3A_51 : i32
      %add3A_76 = arith.constant 1 : i32
      %add3A_77 = arith.addi %mul3A_75, %add3A_76 : i32
      %dma_wait3A_78 = arith.constant 0 : i32
      %dma_wait3A_79 = tpu.memref_slice %arg5[%add3A_77, %dma_wait3A_78] : memref<48x32xi32, #tpu.memory_space<vmem>> -> memref<1x32xi32, #tpu.memory_space<vmem>>
      %dma_wait3A_80 = tpu.memref_squeeze %dma_wait3A_79 : memref<1x32xi32, #tpu.memory_space<vmem>> -> memref<32xi32, #tpu.memory_space<vmem>>
      %dma_wait3A_81 = arith.constant 0 : i32
      %dma_wait3A_82 = arith.constant 0 : i32
      %dma_wait3A_83 = tpu.memref_slice %arg2[%dma_wait3A_81, %dma_wait3A_82] : memref<65536x768xf32, #tpu.memory_space<hbm>> -> memref<65536x768xf32, #tpu.memory_space<hbm>>
      tpu.wait_indirect_dma semaphore(%arg11 : memref<!tpu.dma_semaphore, #tpu.memory_space<semaphore_mem>>) src(%dma_wait3A_83 : memref<65536x768xf32, #tpu.memory_space<hbm>>) dst(%arg7 : memref<32x768xf32, #tpu.memory_space<vmem>>)
      %mul3A_84 = arith.constant 32 : i32
      %mul3A_85 = arith.muli %add3A_77, %mul3A_84 : i32
      %add3A_86 = arith.addi %mul3A_2, %mul3A_85 : i32
      %dma_start3A_87 = arith.constant 0 : i32
      %dma_start3A_88 = tpu.memref_slice %arg4[%add3A_86, %dma_start3A_87] : memref<49152x768xf32, #tpu.memory_space<hbm>> -> memref<32x768xf32, #tpu.memory_space<hbm>>
      %dma_start3A_89 = arith.constant 0 : i32
      %dma_start3A_90 = tpu.memref_slice %arg4[%add3A_86, %dma_start3A_89] : memref<49152x768xf32, #tpu.memory_space<hbm>> -> memref<32x768xf32, #tpu.memory_space<hbm>>
      tpu.enqueue_dma source(%arg7 : memref<32x768xf32, #tpu.memory_space<vmem>>) target(%dma_start3A_90 : memref<32x768xf32, #tpu.memory_space<hbm>>) target_semaphore(%arg15 : memref<!tpu.dma_semaphore, #tpu.memory_space<semaphore_mem>>)
      %add3A_91 = arith.constant 4 : i32
      %add3A_92 = arith.addi %add3A_77, %add3A_91 : i32
      %sub3A_93 = arith.constant 1 : i32
      %sub3A_94 = arith.subi %add3A_92, %sub3A_93 : i32
      %lt3A_95 = arith.constant 48 : i32
      %lt3A_96 = arith.cmpi slt, %sub3A_94, %lt3A_95 : i32
      %convert_element_type3A_97 = arith.extui %lt3A_96 : i1 to i32
      %cond3A_98 = arith.constant 0 : i32
      %cond3A_99 = arith.cmpi ne, %convert_element_type3A_97, %cond3A_98 : i32
      scf.if %cond3A_99 {
        %ge3A = arith.constant 1 : i32
        %ge3A_152 = arith.cmpi sge, %add3A_77, %ge3A : i32
        %convert_element_type3A_153 = arith.extui %ge3A_152 : i1 to i32
        %cond3A_154 = arith.constant 0 : i32
        %cond3A_155 = arith.cmpi ne, %convert_element_type3A_153, %cond3A_154 : i32
        scf.if %cond3A_155 {
          %sub3A_166 = arith.constant 1 : i32
          %sub3A_167 = arith.subi %add3A_77, %sub3A_166 : i32
          %mul3A_168 = arith.constant 32 : i32
          %mul3A_169 = arith.muli %sub3A_167, %mul3A_168 : i32
          %add3A_170 = arith.addi %mul3A_2, %mul3A_169 : i32
          %dma_wait3A_171 = arith.constant 0 : i32
          %dma_wait3A_172 = tpu.memref_slice %arg4[%add3A_170, %dma_wait3A_171] : memref<49152x768xf32, #tpu.memory_space<hbm>> -> memref<32x768xf32, #tpu.memory_space<hbm>>
          %dma_wait3A_173 = arith.constant 0 : i32
          %dma_wait3A_174 = tpu.memref_slice %arg4[%add3A_170, %dma_wait3A_173] : memref<49152x768xf32, #tpu.memory_space<hbm>> -> memref<32x768xf32, #tpu.memory_space<hbm>>
          tpu.wait_dma2 semaphore(%arg14 : memref<!tpu.dma_semaphore, #tpu.memory_space<semaphore_mem>>) src(%arg6 : memref<32x768xf32, #tpu.memory_space<vmem>>) dst(%dma_wait3A_174 : memref<32x768xf32, #tpu.memory_space<hbm>>)
        } else {
        }
        %add3A_156 = arith.constant 4 : i32
        %add3A_157 = arith.addi %add3A_77, %add3A_156 : i32
        %sub3A_158 = arith.constant 1 : i32
        %sub3A_159 = arith.subi %add3A_157, %sub3A_158 : i32
        %dma_start3A_160 = arith.constant 0 : i32
        %dma_start3A_161 = tpu.memref_slice %arg5[%sub3A_159, %dma_start3A_160] : memref<48x32xi32, #tpu.memory_space<vmem>> -> memref<1x32xi32, #tpu.memory_space<vmem>>
        %dma_start3A_162 = tpu.memref_squeeze %dma_start3A_161 : memref<1x32xi32, #tpu.memory_space<vmem>> -> memref<32xi32, #tpu.memory_space<vmem>>
        %dma_start3A_163 = arith.constant 0 : i32
        %dma_start3A_164 = arith.constant 0 : i32
        %dma_start3A_165 = tpu.memref_slice %arg2[%dma_start3A_163, %dma_start3A_164] : memref<65536x768xf32, #tpu.memory_space<hbm>> -> memref<65536x768xf32, #tpu.memory_space<hbm>>
        tpu.enqueue_indirect_dma source(%dma_start3A_165 : memref<65536x768xf32, #tpu.memory_space<hbm>>) target(%arg6 : memref<32x768xf32, #tpu.memory_space<vmem>>) offsets(%dma_start3A_162 : memref<32xi32, #tpu.memory_space<vmem>>) semaphore(%arg10 : memref<!tpu.dma_semaphore, #tpu.memory_space<semaphore_mem>>)
      } else {
      }
      %mul3A_100 = arith.constant 4 : i32
      %mul3A_101 = arith.muli %mul3A_100, %scan3A_51 : i32
      %add3A_102 = arith.constant 2 : i32
      %add3A_103 = arith.addi %mul3A_101, %add3A_102 : i32
      %dma_wait3A_104 = arith.constant 0 : i32
      %dma_wait3A_105 = tpu.memref_slice %arg5[%add3A_103, %dma_wait3A_104] : memref<48x32xi32, #tpu.memory_space<vmem>> -> memref<1x32xi32, #tpu.memory_space<vmem>>
      %dma_wait3A_106 = tpu.memref_squeeze %dma_wait3A_105 : memref<1x32xi32, #tpu.memory_space<vmem>> -> memref<32xi32, #tpu.memory_space<vmem>>
      %dma_wait3A_107 = arith.constant 0 : i32
      %dma_wait3A_108 = arith.constant 0 : i32
      %dma_wait3A_109 = tpu.memref_slice %arg2[%dma_wait3A_107, %dma_wait3A_108] : memref<65536x768xf32, #tpu.memory_space<hbm>> -> memref<65536x768xf32, #tpu.memory_space<hbm>>
      tpu.wait_indirect_dma semaphore(%arg12 : memref<!tpu.dma_semaphore, #tpu.memory_space<semaphore_mem>>) src(%dma_wait3A_109 : memref<65536x768xf32, #tpu.memory_space<hbm>>) dst(%arg8 : memref<32x768xf32, #tpu.memory_space<vmem>>)
      %mul3A_110 = arith.constant 32 : i32
      %mul3A_111 = arith.muli %add3A_103, %mul3A_110 : i32
      %add3A_112 = arith.addi %mul3A_2, %mul3A_111 : i32
      %dma_start3A_113 = arith.constant 0 : i32
      %dma_start3A_114 = tpu.memref_slice %arg4[%add3A_112, %dma_start3A_113] : memref<49152x768xf32, #tpu.memory_space<hbm>> -> memref<32x768xf32, #tpu.memory_space<hbm>>
      %dma_start3A_115 = arith.constant 0 : i32
      %dma_start3A_116 = tpu.memref_slice %arg4[%add3A_112, %dma_start3A_115] : memref<49152x768xf32, #tpu.memory_space<hbm>> -> memref<32x768xf32, #tpu.memory_space<hbm>>
      tpu.enqueue_dma source(%arg8 : memref<32x768xf32, #tpu.memory_space<vmem>>) target(%dma_start3A_116 : memref<32x768xf32, #tpu.memory_space<hbm>>) target_semaphore(%arg16 : memref<!tpu.dma_semaphore, #tpu.memory_space<semaphore_mem>>)
      %add3A_117 = arith.constant 4 : i32
      %add3A_118 = arith.addi %add3A_103, %add3A_117 : i32
      %sub3A_119 = arith.constant 1 : i32
      %sub3A_120 = arith.subi %add3A_118, %sub3A_119 : i32
      %lt3A_121 = arith.constant 48 : i32
      %lt3A_122 = arith.cmpi slt, %sub3A_120, %lt3A_121 : i32
      %convert_element_type3A_123 = arith.extui %lt3A_122 : i1 to i32
      %cond3A_124 = arith.constant 0 : i32
      %cond3A_125 = arith.cmpi ne, %convert_element_type3A_123, %cond3A_124 : i32
      scf.if %cond3A_125 {
        %ge3A = arith.constant 1 : i32
        %ge3A_152 = arith.cmpi sge, %add3A_103, %ge3A : i32
        %convert_element_type3A_153 = arith.extui %ge3A_152 : i1 to i32
        %cond3A_154 = arith.constant 0 : i32
        %cond3A_155 = arith.cmpi ne, %convert_element_type3A_153, %cond3A_154 : i32
        scf.if %cond3A_155 {
          %sub3A_166 = arith.constant 1 : i32
          %sub3A_167 = arith.subi %add3A_103, %sub3A_166 : i32
          %mul3A_168 = arith.constant 32 : i32
          %mul3A_169 = arith.muli %sub3A_167, %mul3A_168 : i32
          %add3A_170 = arith.addi %mul3A_2, %mul3A_169 : i32
          %dma_wait3A_171 = arith.constant 0 : i32
          %dma_wait3A_172 = tpu.memref_slice %arg4[%add3A_170, %dma_wait3A_171] : memref<49152x768xf32, #tpu.memory_space<hbm>> -> memref<32x768xf32, #tpu.memory_space<hbm>>
          %dma_wait3A_173 = arith.constant 0 : i32
          %dma_wait3A_174 = tpu.memref_slice %arg4[%add3A_170, %dma_wait3A_173] : memref<49152x768xf32, #tpu.memory_space<hbm>> -> memref<32x768xf32, #tpu.memory_space<hbm>>
          tpu.wait_dma2 semaphore(%arg15 : memref<!tpu.dma_semaphore, #tpu.memory_space<semaphore_mem>>) src(%arg7 : memref<32x768xf32, #tpu.memory_space<vmem>>) dst(%dma_wait3A_174 : memref<32x768xf32, #tpu.memory_space<hbm>>)
        } else {
        }
        %add3A_156 = arith.constant 4 : i32
        %add3A_157 = arith.addi %add3A_103, %add3A_156 : i32
        %sub3A_158 = arith.constant 1 : i32
        %sub3A_159 = arith.subi %add3A_157, %sub3A_158 : i32
        %dma_start3A_160 = arith.constant 0 : i32
        %dma_start3A_161 = tpu.memref_slice %arg5[%sub3A_159, %dma_start3A_160] : memref<48x32xi32, #tpu.memory_space<vmem>> -> memref<1x32xi32, #tpu.memory_space<vmem>>
        %dma_start3A_162 = tpu.memref_squeeze %dma_start3A_161 : memref<1x32xi32, #tpu.memory_space<vmem>> -> memref<32xi32, #tpu.memory_space<vmem>>
        %dma_start3A_163 = arith.constant 0 : i32
        %dma_start3A_164 = arith.constant 0 : i32
        %dma_start3A_165 = tpu.memref_slice %arg2[%dma_start3A_163, %dma_start3A_164] : memref<65536x768xf32, #tpu.memory_space<hbm>> -> memref<65536x768xf32, #tpu.memory_space<hbm>>
        tpu.enqueue_indirect_dma source(%dma_start3A_165 : memref<65536x768xf32, #tpu.memory_space<hbm>>) target(%arg7 : memref<32x768xf32, #tpu.memory_space<vmem>>) offsets(%dma_start3A_162 : memref<32xi32, #tpu.memory_space<vmem>>) semaphore(%arg11 : memref<!tpu.dma_semaphore, #tpu.memory_space<semaphore_mem>>)
      } else {
      }
      %mul3A_126 = arith.constant 4 : i32
      %mul3A_127 = arith.muli %mul3A_126, %scan3A_51 : i32
      %add3A_128 = arith.constant 3 : i32
      %add3A_129 = arith.addi %mul3A_127, %add3A_128 : i32
      %dma_wait3A_130 = arith.constant 0 : i32
      %dma_wait3A_131 = tpu.memref_slice %arg5[%add3A_129, %dma_wait3A_130] : memref<48x32xi32, #tpu.memory_space<vmem>> -> memref<1x32xi32, #tpu.memory_space<vmem>>
      %dma_wait3A_132 = tpu.memref_squeeze %dma_wait3A_131 : memref<1x32xi32, #tpu.memory_space<vmem>> -> memref<32xi32, #tpu.memory_space<vmem>>
      %dma_wait3A_133 = arith.constant 0 : i32
      %dma_wait3A_134 = arith.constant 0 : i32
      %dma_wait3A_135 = tpu.memref_slice %arg2[%dma_wait3A_133, %dma_wait3A_134] : memref<65536x768xf32, #tpu.memory_space<hbm>> -> memref<65536x768xf32, #tpu.memory_space<hbm>>
      tpu.wait_indirect_dma semaphore(%arg13 : memref<!tpu.dma_semaphore, #tpu.memory_space<semaphore_mem>>) src(%dma_wait3A_135 : memref<65536x768xf32, #tpu.memory_space<hbm>>) dst(%arg9 : memref<32x768xf32, #tpu.memory_space<vmem>>)
      %mul3A_136 = arith.constant 32 : i32
      %mul3A_137 = arith.muli %add3A_129, %mul3A_136 : i32
      %add3A_138 = arith.addi %mul3A_2, %mul3A_137 : i32
      %dma_start3A_139 = arith.constant 0 : i32
      %dma_start3A_140 = tpu.memref_slice %arg4[%add3A_138, %dma_start3A_139] : memref<49152x768xf32, #tpu.memory_space<hbm>> -> memref<32x768xf32, #tpu.memory_space<hbm>>
      %dma_start3A_141 = arith.constant 0 : i32
      %dma_start3A_142 = tpu.memref_slice %arg4[%add3A_138, %dma_start3A_141] : memref<49152x768xf32, #tpu.memory_space<hbm>> -> memref<32x768xf32, #tpu.memory_space<hbm>>
      tpu.enqueue_dma source(%arg9 : memref<32x768xf32, #tpu.memory_space<vmem>>) target(%dma_start3A_142 : memref<32x768xf32, #tpu.memory_space<hbm>>) target_semaphore(%arg17 : memref<!tpu.dma_semaphore, #tpu.memory_space<semaphore_mem>>)
      %add3A_143 = arith.constant 4 : i32
      %add3A_144 = arith.addi %add3A_129, %add3A_143 : i32
      %sub3A_145 = arith.constant 1 : i32
      %sub3A_146 = arith.subi %add3A_144, %sub3A_145 : i32
      %lt3A_147 = arith.constant 48 : i32
      %lt3A_148 = arith.cmpi slt, %sub3A_146, %lt3A_147 : i32
      %convert_element_type3A_149 = arith.extui %lt3A_148 : i1 to i32
      %cond3A_150 = arith.constant 0 : i32
      %cond3A_151 = arith.cmpi ne, %convert_element_type3A_149, %cond3A_150 : i32
      scf.if %cond3A_151 {
        %ge3A = arith.constant 1 : i32
        %ge3A_152 = arith.cmpi sge, %add3A_129, %ge3A : i32
        %convert_element_type3A_153 = arith.extui %ge3A_152 : i1 to i32
        %cond3A_154 = arith.constant 0 : i32
        %cond3A_155 = arith.cmpi ne, %convert_element_type3A_153, %cond3A_154 : i32
        scf.if %cond3A_155 {
          %sub3A_166 = arith.constant 1 : i32
          %sub3A_167 = arith.subi %add3A_129, %sub3A_166 : i32
          %mul3A_168 = arith.constant 32 : i32
          %mul3A_169 = arith.muli %sub3A_167, %mul3A_168 : i32
          %add3A_170 = arith.addi %mul3A_2, %mul3A_169 : i32
          %dma_wait3A_171 = arith.constant 0 : i32
          %dma_wait3A_172 = tpu.memref_slice %arg4[%add3A_170, %dma_wait3A_171] : memref<49152x768xf32, #tpu.memory_space<hbm>> -> memref<32x768xf32, #tpu.memory_space<hbm>>
          %dma_wait3A_173 = arith.constant 0 : i32
          %dma_wait3A_174 = tpu.memref_slice %arg4[%add3A_170, %dma_wait3A_173] : memref<49152x768xf32, #tpu.memory_space<hbm>> -> memref<32x768xf32, #tpu.memory_space<hbm>>
          tpu.wait_dma2 semaphore(%arg16 : memref<!tpu.dma_semaphore, #tpu.memory_space<semaphore_mem>>) src(%arg8 : memref<32x768xf32, #tpu.memory_space<vmem>>) dst(%dma_wait3A_174 : memref<32x768xf32, #tpu.memory_space<hbm>>)
        } else {
        }
        %add3A_156 = arith.constant 4 : i32
        %add3A_157 = arith.addi %add3A_129, %add3A_156 : i32
        %sub3A_158 = arith.constant 1 : i32
        %sub3A_159 = arith.subi %add3A_157, %sub3A_158 : i32
        %dma_start3A_160 = arith.constant 0 : i32
        %dma_start3A_161 = tpu.memref_slice %arg5[%sub3A_159, %dma_start3A_160] : memref<48x32xi32, #tpu.memory_space<vmem>> -> memref<1x32xi32, #tpu.memory_space<vmem>>
        %dma_start3A_162 = tpu.memref_squeeze %dma_start3A_161 : memref<1x32xi32, #tpu.memory_space<vmem>> -> memref<32xi32, #tpu.memory_space<vmem>>
        %dma_start3A_163 = arith.constant 0 : i32
        %dma_start3A_164 = arith.constant 0 : i32
        %dma_start3A_165 = tpu.memref_slice %arg2[%dma_start3A_163, %dma_start3A_164] : memref<65536x768xf32, #tpu.memory_space<hbm>> -> memref<65536x768xf32, #tpu.memory_space<hbm>>
        tpu.enqueue_indirect_dma source(%dma_start3A_165 : memref<65536x768xf32, #tpu.memory_space<hbm>>) target(%arg8 : memref<32x768xf32, #tpu.memory_space<vmem>>) offsets(%dma_start3A_162 : memref<32xi32, #tpu.memory_space<vmem>>) semaphore(%arg12 : memref<!tpu.dma_semaphore, #tpu.memory_space<semaphore_mem>>)
      } else {
      }
    }
    %scan3A_27 = arith.constant 12 : i32
    %add3A_28 = arith.constant 1408 : i32
    %add3A_29 = arith.addi %mul3A_2, %add3A_28 : i32
    %dma_wait3A = arith.constant 0 : i32
    %dma_wait3A_30 = tpu.memref_slice %arg4[%add3A_29, %dma_wait3A] : memref<49152x768xf32, #tpu.memory_space<hbm>> -> memref<32x768xf32, #tpu.memory_space<hbm>>
    %dma_wait3A_31 = arith.constant 0 : i32
    %dma_wait3A_32 = tpu.memref_slice %arg4[%add3A_29, %dma_wait3A_31] : memref<49152x768xf32, #tpu.memory_space<hbm>> -> memref<32x768xf32, #tpu.memory_space<hbm>>
    tpu.wait_dma2 semaphore(%arg14 : memref<!tpu.dma_semaphore, #tpu.memory_space<semaphore_mem>>) src(%arg6 : memref<32x768xf32, #tpu.memory_space<vmem>>) dst(%dma_wait3A_32 : memref<32x768xf32, #tpu.memory_space<hbm>>)
    %add3A_33 = arith.constant 1440 : i32
    %add3A_34 = arith.addi %mul3A_2, %add3A_33 : i32
    %dma_wait3A_35 = arith.constant 0 : i32
    %dma_wait3A_36 = tpu.memref_slice %arg4[%add3A_34, %dma_wait3A_35] : memref<49152x768xf32, #tpu.memory_space<hbm>> -> memref<32x768xf32, #tpu.memory_space<hbm>>
    %dma_wait3A_37 = arith.constant 0 : i32
    %dma_wait3A_38 = tpu.memref_slice %arg4[%add3A_34, %dma_wait3A_37] : memref<49152x768xf32, #tpu.memory_space<hbm>> -> memref<32x768xf32, #tpu.memory_space<hbm>>
    tpu.wait_dma2 semaphore(%arg15 : memref<!tpu.dma_semaphore, #tpu.memory_space<semaphore_mem>>) src(%arg7 : memref<32x768xf32, #tpu.memory_space<vmem>>) dst(%dma_wait3A_38 : memref<32x768xf32, #tpu.memory_space<hbm>>)
    %add3A_39 = arith.constant 1472 : i32
    %add3A_40 = arith.addi %mul3A_2, %add3A_39 : i32
    %dma_wait3A_41 = arith.constant 0 : i32
    %dma_wait3A_42 = tpu.memref_slice %arg4[%add3A_40, %dma_wait3A_41] : memref<49152x768xf32, #tpu.memory_space<hbm>> -> memref<32x768xf32, #tpu.memory_space<hbm>>
    %dma_wait3A_43 = arith.constant 0 : i32
    %dma_wait3A_44 = tpu.memref_slice %arg4[%add3A_40, %dma_wait3A_43] : memref<49152x768xf32, #tpu.memory_space<hbm>> -> memref<32x768xf32, #tpu.memory_space<hbm>>
    tpu.wait_dma2 semaphore(%arg16 : memref<!tpu.dma_semaphore, #tpu.memory_space<semaphore_mem>>) src(%arg8 : memref<32x768xf32, #tpu.memory_space<vmem>>) dst(%dma_wait3A_44 : memref<32x768xf32, #tpu.memory_space<hbm>>)
    %add3A_45 = arith.constant 1504 : i32
    %add3A_46 = arith.addi %mul3A_2, %add3A_45 : i32
    %dma_wait3A_47 = arith.constant 0 : i32
    %dma_wait3A_48 = tpu.memref_slice %arg4[%add3A_46, %dma_wait3A_47] : memref<49152x768xf32, #tpu.memory_space<hbm>> -> memref<32x768xf32, #tpu.memory_space<hbm>>
    %dma_wait3A_49 = arith.constant 0 : i32
    %dma_wait3A_50 = tpu.memref_slice %arg4[%add3A_46, %dma_wait3A_49] : memref<49152x768xf32, #tpu.memory_space<hbm>> -> memref<32x768xf32, #tpu.memory_space<hbm>>
    tpu.wait_dma2 semaphore(%arg17 : memref<!tpu.dma_semaphore, #tpu.memory_space<semaphore_mem>>) src(%arg9 : memref<32x768xf32, #tpu.memory_space<vmem>>) dst(%dma_wait3A_50 : memref<32x768xf32, #tpu.memory_space<hbm>>)
    return
  }
}

module attributes {stable_mosaic.version = 14 : i64} {
  func.func @_y_tc_kernel(%arg0: memref<256xi32, #tpu.memory_space<smem>>, %arg1: memref<64x1024x768xf32, #tpu.memory_space<any>>, %arg2: memref<64x256x768xf32, #tpu.memory_space<any>>, %arg3: memref<64x768xf32, #tpu.memory_space<vmem>>, %arg4: memref<64x768xf32, #tpu.memory_space<vmem>>, %arg5: memref<64x768xf32, #tpu.memory_space<vmem>>, %arg6: memref<64x768xf32, #tpu.memory_space<vmem>>, %arg7: memref<64x768xf32, #tpu.memory_space<vmem>>, %arg8: memref<64x768xf32, #tpu.memory_space<vmem>>, %arg9: memref<64x768xf32, #tpu.memory_space<vmem>>, %arg10: memref<64x768xf32, #tpu.memory_space<vmem>>, %arg11: memref<64x768xf32, #tpu.memory_space<vmem>>, %arg12: memref<64x768xf32, #tpu.memory_space<vmem>>, %arg13: memref<64x768xf32, #tpu.memory_space<vmem>>, %arg14: memref<64x768xf32, #tpu.memory_space<vmem>>, %arg15: memref<64x768xf32, #tpu.memory_space<vmem>>, %arg16: memref<64x768xf32, #tpu.memory_space<vmem>>, %arg17: memref<64x768xf32, #tpu.memory_space<vmem>>, %arg18: memref<64x768xf32, #tpu.memory_space<vmem>>, %arg19: memref<!tpu.dma_semaphore, #tpu.memory_space<semaphore_mem>>, %arg20: memref<!tpu.dma_semaphore, #tpu.memory_space<semaphore_mem>>, %arg21: memref<!tpu.dma_semaphore, #tpu.memory_space<semaphore_mem>>, %arg22: memref<!tpu.dma_semaphore, #tpu.memory_space<semaphore_mem>>, %arg23: memref<!tpu.dma_semaphore, #tpu.memory_space<semaphore_mem>>, %arg24: memref<!tpu.dma_semaphore, #tpu.memory_space<semaphore_mem>>, %arg25: memref<!tpu.dma_semaphore, #tpu.memory_space<semaphore_mem>>, %arg26: memref<!tpu.dma_semaphore, #tpu.memory_space<semaphore_mem>>, %arg27: memref<!tpu.dma_semaphore, #tpu.memory_space<semaphore_mem>>, %arg28: memref<!tpu.dma_semaphore, #tpu.memory_space<semaphore_mem>>, %arg29: memref<!tpu.dma_semaphore, #tpu.memory_space<semaphore_mem>>, %arg30: memref<!tpu.dma_semaphore, #tpu.memory_space<semaphore_mem>>, %arg31: memref<!tpu.dma_semaphore, #tpu.memory_space<semaphore_mem>>, %arg32: memref<!tpu.dma_semaphore, #tpu.memory_space<semaphore_mem>>, %arg33: memref<!tpu.dma_semaphore, #tpu.memory_space<semaphore_mem>>, %arg34: memref<!tpu.dma_semaphore, #tpu.memory_space<semaphore_mem>>, %arg35: memref<!tpu.dma_semaphore, #tpu.memory_space<semaphore_mem>>, %arg36: memref<!tpu.dma_semaphore, #tpu.memory_space<semaphore_mem>>, %arg37: memref<!tpu.dma_semaphore, #tpu.memory_space<semaphore_mem>>, %arg38: memref<!tpu.dma_semaphore, #tpu.memory_space<semaphore_mem>>, %arg39: memref<!tpu.dma_semaphore, #tpu.memory_space<semaphore_mem>>, %arg40: memref<!tpu.dma_semaphore, #tpu.memory_space<semaphore_mem>>, %arg41: memref<!tpu.dma_semaphore, #tpu.memory_space<semaphore_mem>>, %arg42: memref<!tpu.dma_semaphore, #tpu.memory_space<semaphore_mem>>, %arg43: memref<!tpu.dma_semaphore, #tpu.memory_space<semaphore_mem>>, %arg44: memref<!tpu.dma_semaphore, #tpu.memory_space<semaphore_mem>>, %arg45: memref<!tpu.dma_semaphore, #tpu.memory_space<semaphore_mem>>, %arg46: memref<!tpu.dma_semaphore, #tpu.memory_space<semaphore_mem>>, %arg47: memref<!tpu.dma_semaphore, #tpu.memory_space<semaphore_mem>>, %arg48: memref<!tpu.dma_semaphore, #tpu.memory_space<semaphore_mem>>, %arg49: memref<!tpu.dma_semaphore, #tpu.memory_space<semaphore_mem>>, %arg50: memref<!tpu.dma_semaphore, #tpu.memory_space<semaphore_mem>>) attributes {dimension_semantics = [], scalar_prefetch = 0 : i64, scratch_operands = 48 : i64, tpu.core_type = #tpu.core_type<tc>} {
    %get3A = arith.constant 0 : index
    %get3A_0 = memref.load %arg0[%get3A] : memref<256xi32, #tpu.memory_space<smem>>
    %dma_start3A = arith.constant 0 : i32
    %dma_start3A_1 = arith.constant 0 : i32
    %dma_start3A_2 = tpu.memref_slice %arg1[%dma_start3A, %get3A_0, %dma_start3A_1] : memref<64x1024x768xf32, #tpu.memory_space<any>> -> memref<64x1x768xf32, #tpu.memory_space<any>>
    %dma_start3A_3 = tpu.memref_squeeze %dma_start3A_2 : memref<64x1x768xf32, #tpu.memory_space<any>> -> memref<64x768xf32, #tpu.memory_space<any>>
    tpu.enqueue_dma source(%dma_start3A_3 : memref<64x768xf32, #tpu.memory_space<any>>) target(%arg3 : memref<64x768xf32, #tpu.memory_space<vmem>>) target_semaphore(%arg19 : memref<!tpu.dma_semaphore, #tpu.memory_space<semaphore_mem>>)
    %get3A_4 = arith.constant 1 : index
    %get3A_5 = memref.load %arg0[%get3A_4] : memref<256xi32, #tpu.memory_space<smem>>
    %dma_start3A_6 = arith.constant 0 : i32
    %dma_start3A_7 = arith.constant 0 : i32
    %dma_start3A_8 = tpu.memref_slice %arg1[%dma_start3A_6, %get3A_5, %dma_start3A_7] : memref<64x1024x768xf32, #tpu.memory_space<any>> -> memref<64x1x768xf32, #tpu.memory_space<any>>
    %dma_start3A_9 = tpu.memref_squeeze %dma_start3A_8 : memref<64x1x768xf32, #tpu.memory_space<any>> -> memref<64x768xf32, #tpu.memory_space<any>>
    tpu.enqueue_dma source(%dma_start3A_9 : memref<64x768xf32, #tpu.memory_space<any>>) target(%arg4 : memref<64x768xf32, #tpu.memory_space<vmem>>) target_semaphore(%arg20 : memref<!tpu.dma_semaphore, #tpu.memory_space<semaphore_mem>>)
    %get3A_10 = arith.constant 2 : index
    %get3A_11 = memref.load %arg0[%get3A_10] : memref<256xi32, #tpu.memory_space<smem>>
    %dma_start3A_12 = arith.constant 0 : i32
    %dma_start3A_13 = arith.constant 0 : i32
    %dma_start3A_14 = tpu.memref_slice %arg1[%dma_start3A_12, %get3A_11, %dma_start3A_13] : memref<64x1024x768xf32, #tpu.memory_space<any>> -> memref<64x1x768xf32, #tpu.memory_space<any>>
    %dma_start3A_15 = tpu.memref_squeeze %dma_start3A_14 : memref<64x1x768xf32, #tpu.memory_space<any>> -> memref<64x768xf32, #tpu.memory_space<any>>
    tpu.enqueue_dma source(%dma_start3A_15 : memref<64x768xf32, #tpu.memory_space<any>>) target(%arg5 : memref<64x768xf32, #tpu.memory_space<vmem>>) target_semaphore(%arg21 : memref<!tpu.dma_semaphore, #tpu.memory_space<semaphore_mem>>)
    %get3A_16 = arith.constant 3 : index
    %get3A_17 = memref.load %arg0[%get3A_16] : memref<256xi32, #tpu.memory_space<smem>>
    %dma_start3A_18 = arith.constant 0 : i32
    %dma_start3A_19 = arith.constant 0 : i32
    %dma_start3A_20 = tpu.memref_slice %arg1[%dma_start3A_18, %get3A_17, %dma_start3A_19] : memref<64x1024x768xf32, #tpu.memory_space<any>> -> memref<64x1x768xf32, #tpu.memory_space<any>>
    %dma_start3A_21 = tpu.memref_squeeze %dma_start3A_20 : memref<64x1x768xf32, #tpu.memory_space<any>> -> memref<64x768xf32, #tpu.memory_space<any>>
    tpu.enqueue_dma source(%dma_start3A_21 : memref<64x768xf32, #tpu.memory_space<any>>) target(%arg6 : memref<64x768xf32, #tpu.memory_space<vmem>>) target_semaphore(%arg22 : memref<!tpu.dma_semaphore, #tpu.memory_space<semaphore_mem>>)
    %get3A_22 = arith.constant 4 : index
    %get3A_23 = memref.load %arg0[%get3A_22] : memref<256xi32, #tpu.memory_space<smem>>
    %dma_start3A_24 = arith.constant 0 : i32
    %dma_start3A_25 = arith.constant 0 : i32
    %dma_start3A_26 = tpu.memref_slice %arg1[%dma_start3A_24, %get3A_23, %dma_start3A_25] : memref<64x1024x768xf32, #tpu.memory_space<any>> -> memref<64x1x768xf32, #tpu.memory_space<any>>
    %dma_start3A_27 = tpu.memref_squeeze %dma_start3A_26 : memref<64x1x768xf32, #tpu.memory_space<any>> -> memref<64x768xf32, #tpu.memory_space<any>>
    tpu.enqueue_dma source(%dma_start3A_27 : memref<64x768xf32, #tpu.memory_space<any>>) target(%arg7 : memref<64x768xf32, #tpu.memory_space<vmem>>) target_semaphore(%arg23 : memref<!tpu.dma_semaphore, #tpu.memory_space<semaphore_mem>>)
    %get3A_28 = arith.constant 5 : index
    %get3A_29 = memref.load %arg0[%get3A_28] : memref<256xi32, #tpu.memory_space<smem>>
    %dma_start3A_30 = arith.constant 0 : i32
    %dma_start3A_31 = arith.constant 0 : i32
    %dma_start3A_32 = tpu.memref_slice %arg1[%dma_start3A_30, %get3A_29, %dma_start3A_31] : memref<64x1024x768xf32, #tpu.memory_space<any>> -> memref<64x1x768xf32, #tpu.memory_space<any>>
    %dma_start3A_33 = tpu.memref_squeeze %dma_start3A_32 : memref<64x1x768xf32, #tpu.memory_space<any>> -> memref<64x768xf32, #tpu.memory_space<any>>
    tpu.enqueue_dma source(%dma_start3A_33 : memref<64x768xf32, #tpu.memory_space<any>>) target(%arg8 : memref<64x768xf32, #tpu.memory_space<vmem>>) target_semaphore(%arg24 : memref<!tpu.dma_semaphore, #tpu.memory_space<semaphore_mem>>)
    %get3A_34 = arith.constant 6 : index
    %get3A_35 = memref.load %arg0[%get3A_34] : memref<256xi32, #tpu.memory_space<smem>>
    %dma_start3A_36 = arith.constant 0 : i32
    %dma_start3A_37 = arith.constant 0 : i32
    %dma_start3A_38 = tpu.memref_slice %arg1[%dma_start3A_36, %get3A_35, %dma_start3A_37] : memref<64x1024x768xf32, #tpu.memory_space<any>> -> memref<64x1x768xf32, #tpu.memory_space<any>>
    %dma_start3A_39 = tpu.memref_squeeze %dma_start3A_38 : memref<64x1x768xf32, #tpu.memory_space<any>> -> memref<64x768xf32, #tpu.memory_space<any>>
    tpu.enqueue_dma source(%dma_start3A_39 : memref<64x768xf32, #tpu.memory_space<any>>) target(%arg9 : memref<64x768xf32, #tpu.memory_space<vmem>>) target_semaphore(%arg25 : memref<!tpu.dma_semaphore, #tpu.memory_space<semaphore_mem>>)
    %get3A_40 = arith.constant 7 : index
    %get3A_41 = memref.load %arg0[%get3A_40] : memref<256xi32, #tpu.memory_space<smem>>
    %dma_start3A_42 = arith.constant 0 : i32
    %dma_start3A_43 = arith.constant 0 : i32
    %dma_start3A_44 = tpu.memref_slice %arg1[%dma_start3A_42, %get3A_41, %dma_start3A_43] : memref<64x1024x768xf32, #tpu.memory_space<any>> -> memref<64x1x768xf32, #tpu.memory_space<any>>
    %dma_start3A_45 = tpu.memref_squeeze %dma_start3A_44 : memref<64x1x768xf32, #tpu.memory_space<any>> -> memref<64x768xf32, #tpu.memory_space<any>>
    tpu.enqueue_dma source(%dma_start3A_45 : memref<64x768xf32, #tpu.memory_space<any>>) target(%arg10 : memref<64x768xf32, #tpu.memory_space<vmem>>) target_semaphore(%arg26 : memref<!tpu.dma_semaphore, #tpu.memory_space<semaphore_mem>>)
    %get3A_46 = arith.constant 8 : index
    %get3A_47 = memref.load %arg0[%get3A_46] : memref<256xi32, #tpu.memory_space<smem>>
    %dma_start3A_48 = arith.constant 0 : i32
    %dma_start3A_49 = arith.constant 0 : i32
    %dma_start3A_50 = tpu.memref_slice %arg1[%dma_start3A_48, %get3A_47, %dma_start3A_49] : memref<64x1024x768xf32, #tpu.memory_space<any>> -> memref<64x1x768xf32, #tpu.memory_space<any>>
    %dma_start3A_51 = tpu.memref_squeeze %dma_start3A_50 : memref<64x1x768xf32, #tpu.memory_space<any>> -> memref<64x768xf32, #tpu.memory_space<any>>
    tpu.enqueue_dma source(%dma_start3A_51 : memref<64x768xf32, #tpu.memory_space<any>>) target(%arg11 : memref<64x768xf32, #tpu.memory_space<vmem>>) target_semaphore(%arg27 : memref<!tpu.dma_semaphore, #tpu.memory_space<semaphore_mem>>)
    %get3A_52 = arith.constant 9 : index
    %get3A_53 = memref.load %arg0[%get3A_52] : memref<256xi32, #tpu.memory_space<smem>>
    %dma_start3A_54 = arith.constant 0 : i32
    %dma_start3A_55 = arith.constant 0 : i32
    %dma_start3A_56 = tpu.memref_slice %arg1[%dma_start3A_54, %get3A_53, %dma_start3A_55] : memref<64x1024x768xf32, #tpu.memory_space<any>> -> memref<64x1x768xf32, #tpu.memory_space<any>>
    %dma_start3A_57 = tpu.memref_squeeze %dma_start3A_56 : memref<64x1x768xf32, #tpu.memory_space<any>> -> memref<64x768xf32, #tpu.memory_space<any>>
    tpu.enqueue_dma source(%dma_start3A_57 : memref<64x768xf32, #tpu.memory_space<any>>) target(%arg12 : memref<64x768xf32, #tpu.memory_space<vmem>>) target_semaphore(%arg28 : memref<!tpu.dma_semaphore, #tpu.memory_space<semaphore_mem>>)
    %get3A_58 = arith.constant 10 : index
    %get3A_59 = memref.load %arg0[%get3A_58] : memref<256xi32, #tpu.memory_space<smem>>
    %dma_start3A_60 = arith.constant 0 : i32
    %dma_start3A_61 = arith.constant 0 : i32
    %dma_start3A_62 = tpu.memref_slice %arg1[%dma_start3A_60, %get3A_59, %dma_start3A_61] : memref<64x1024x768xf32, #tpu.memory_space<any>> -> memref<64x1x768xf32, #tpu.memory_space<any>>
    %dma_start3A_63 = tpu.memref_squeeze %dma_start3A_62 : memref<64x1x768xf32, #tpu.memory_space<any>> -> memref<64x768xf32, #tpu.memory_space<any>>
    tpu.enqueue_dma source(%dma_start3A_63 : memref<64x768xf32, #tpu.memory_space<any>>) target(%arg13 : memref<64x768xf32, #tpu.memory_space<vmem>>) target_semaphore(%arg29 : memref<!tpu.dma_semaphore, #tpu.memory_space<semaphore_mem>>)
    %get3A_64 = arith.constant 11 : index
    %get3A_65 = memref.load %arg0[%get3A_64] : memref<256xi32, #tpu.memory_space<smem>>
    %dma_start3A_66 = arith.constant 0 : i32
    %dma_start3A_67 = arith.constant 0 : i32
    %dma_start3A_68 = tpu.memref_slice %arg1[%dma_start3A_66, %get3A_65, %dma_start3A_67] : memref<64x1024x768xf32, #tpu.memory_space<any>> -> memref<64x1x768xf32, #tpu.memory_space<any>>
    %dma_start3A_69 = tpu.memref_squeeze %dma_start3A_68 : memref<64x1x768xf32, #tpu.memory_space<any>> -> memref<64x768xf32, #tpu.memory_space<any>>
    tpu.enqueue_dma source(%dma_start3A_69 : memref<64x768xf32, #tpu.memory_space<any>>) target(%arg14 : memref<64x768xf32, #tpu.memory_space<vmem>>) target_semaphore(%arg30 : memref<!tpu.dma_semaphore, #tpu.memory_space<semaphore_mem>>)
    %scan3A = arith.constant 0 : i32
    %scan3A_70 = arith.constant 16 : i32
    %scan3A_71 = arith.addi %scan3A, %scan3A_70 : i32
    %scan3A_72 = arith.constant 1 : i32
    scf.for %scan3A_153 = %scan3A to %scan3A_71 step %scan3A_72  : i32 {
      %mul3A = arith.constant 16 : i32
      %mul3A_154 = arith.muli %mul3A, %scan3A_153 : i32
      %add3A = arith.constant 0 : i32
      %add3A_155 = arith.addi %mul3A_154, %add3A : i32
      %get3A_156 = arith.index_cast %add3A_155 : i32 to index
      %get3A_157 = memref.load %arg0[%get3A_156] : memref<256xi32, #tpu.memory_space<smem>>
      %dma_wait3A_158 = arith.constant 0 : i32
      %dma_wait3A_159 = arith.constant 0 : i32
      %dma_wait3A_160 = tpu.memref_slice %arg1[%dma_wait3A_158, %get3A_157, %dma_wait3A_159] : memref<64x1024x768xf32, #tpu.memory_space<any>> -> memref<64x1x768xf32, #tpu.memory_space<any>>
      %dma_wait3A_161 = tpu.memref_squeeze %dma_wait3A_160 : memref<64x1x768xf32, #tpu.memory_space<any>> -> memref<64x768xf32, #tpu.memory_space<any>>
      tpu.wait_dma2 semaphore(%arg19 : memref<!tpu.dma_semaphore, #tpu.memory_space<semaphore_mem>>) src(%dma_wait3A_161 : memref<64x768xf32, #tpu.memory_space<any>>) dst(%arg3 : memref<64x768xf32, #tpu.memory_space<vmem>>)
      %dma_start3A_162 = arith.constant 0 : i32
      %dma_start3A_163 = arith.constant 0 : i32
      %dma_start3A_164 = tpu.memref_slice %arg2[%dma_start3A_162, %add3A_155, %dma_start3A_163] : memref<64x256x768xf32, #tpu.memory_space<any>> -> memref<64x1x768xf32, #tpu.memory_space<any>>
      %dma_start3A_165 = tpu.memref_squeeze %dma_start3A_164 : memref<64x1x768xf32, #tpu.memory_space<any>> -> memref<64x768xf32, #tpu.memory_space<any>>
      tpu.enqueue_dma source(%arg3 : memref<64x768xf32, #tpu.memory_space<vmem>>) target(%dma_start3A_165 : memref<64x768xf32, #tpu.memory_space<any>>) target_semaphore(%arg35 : memref<!tpu.dma_semaphore, #tpu.memory_space<semaphore_mem>>)
      %add3A_166 = arith.constant 12 : i32
      %add3A_167 = arith.addi %add3A_155, %add3A_166 : i32
      %lt3A = arith.constant 256 : i32
      %lt3A_168 = arith.cmpi slt, %add3A_167, %lt3A : i32
      %convert_element_type3A = arith.extui %lt3A_168 : i1 to i32
      %cond3A = arith.constant 0 : i32
      %cond3A_169 = arith.cmpi ne, %convert_element_type3A, %cond3A : i32
      scf.if %cond3A_169 {
        %ge3A = arith.constant 16 : i32
        %ge3A_485 = arith.cmpi sge, %add3A_167, %ge3A : i32
        %convert_element_type3A_486 = arith.extui %ge3A_485 : i1 to i32
        %cond3A_487 = arith.constant 0 : i32
        %cond3A_488 = arith.cmpi ne, %convert_element_type3A_486, %cond3A_487 : i32
        scf.if %cond3A_488 {
          %sub3A = arith.constant 16 : i32
          %sub3A_495 = arith.subi %add3A_167, %sub3A : i32
          %dma_wait3A_496 = arith.constant 0 : i32
          %dma_wait3A_497 = arith.constant 0 : i32
          %dma_wait3A_498 = tpu.memref_slice %arg2[%dma_wait3A_496, %sub3A_495, %dma_wait3A_497] : memref<64x256x768xf32, #tpu.memory_space<any>> -> memref<64x1x768xf32, #tpu.memory_space<any>>
          %dma_wait3A_499 = tpu.memref_squeeze %dma_wait3A_498 : memref<64x1x768xf32, #tpu.memory_space<any>> -> memref<64x768xf32, #tpu.memory_space<any>>
          tpu.wait_dma2 semaphore(%arg47 : memref<!tpu.dma_semaphore, #tpu.memory_space<semaphore_mem>>) src(%arg15 : memref<64x768xf32, #tpu.memory_space<vmem>>) dst(%dma_wait3A_499 : memref<64x768xf32, #tpu.memory_space<any>>)
        } else {
        }
        %get3A_489 = arith.index_cast %add3A_167 : i32 to index
        %get3A_490 = memref.load %arg0[%get3A_489] : memref<256xi32, #tpu.memory_space<smem>>
        %dma_start3A_491 = arith.constant 0 : i32
        %dma_start3A_492 = arith.constant 0 : i32
        %dma_start3A_493 = tpu.memref_slice %arg1[%dma_start3A_491, %get3A_490, %dma_start3A_492] : memref<64x1024x768xf32, #tpu.memory_space<any>> -> memref<64x1x768xf32, #tpu.memory_space<any>>
        %dma_start3A_494 = tpu.memref_squeeze %dma_start3A_493 : memref<64x1x768xf32, #tpu.memory_space<any>> -> memref<64x768xf32, #tpu.memory_space<any>>
        tpu.enqueue_dma source(%dma_start3A_494 : memref<64x768xf32, #tpu.memory_space<any>>) target(%arg15 : memref<64x768xf32, #tpu.memory_space<vmem>>) target_semaphore(%arg31 : memref<!tpu.dma_semaphore, #tpu.memory_space<semaphore_mem>>)
      } else {
      }
      %mul3A_170 = arith.constant 16 : i32
      %mul3A_171 = arith.muli %mul3A_170, %scan3A_153 : i32
      %add3A_172 = arith.constant 1 : i32
      %add3A_173 = arith.addi %mul3A_171, %add3A_172 : i32
      %get3A_174 = arith.index_cast %add3A_173 : i32 to index
      %get3A_175 = memref.load %arg0[%get3A_174] : memref<256xi32, #tpu.memory_space<smem>>
      %dma_wait3A_176 = arith.constant 0 : i32
      %dma_wait3A_177 = arith.constant 0 : i32
      %dma_wait3A_178 = tpu.memref_slice %arg1[%dma_wait3A_176, %get3A_175, %dma_wait3A_177] : memref<64x1024x768xf32, #tpu.memory_space<any>> -> memref<64x1x768xf32, #tpu.memory_space<any>>
      %dma_wait3A_179 = tpu.memref_squeeze %dma_wait3A_178 : memref<64x1x768xf32, #tpu.memory_space<any>> -> memref<64x768xf32, #tpu.memory_space<any>>
      tpu.wait_dma2 semaphore(%arg20 : memref<!tpu.dma_semaphore, #tpu.memory_space<semaphore_mem>>) src(%dma_wait3A_179 : memref<64x768xf32, #tpu.memory_space<any>>) dst(%arg4 : memref<64x768xf32, #tpu.memory_space<vmem>>)
      %dma_start3A_180 = arith.constant 0 : i32
      %dma_start3A_181 = arith.constant 0 : i32
      %dma_start3A_182 = tpu.memref_slice %arg2[%dma_start3A_180, %add3A_173, %dma_start3A_181] : memref<64x256x768xf32, #tpu.memory_space<any>> -> memref<64x1x768xf32, #tpu.memory_space<any>>
      %dma_start3A_183 = tpu.memref_squeeze %dma_start3A_182 : memref<64x1x768xf32, #tpu.memory_space<any>> -> memref<64x768xf32, #tpu.memory_space<any>>
      tpu.enqueue_dma source(%arg4 : memref<64x768xf32, #tpu.memory_space<vmem>>) target(%dma_start3A_183 : memref<64x768xf32, #tpu.memory_space<any>>) target_semaphore(%arg36 : memref<!tpu.dma_semaphore, #tpu.memory_space<semaphore_mem>>)
      %add3A_184 = arith.constant 12 : i32
      %add3A_185 = arith.addi %add3A_173, %add3A_184 : i32
      %lt3A_186 = arith.constant 256 : i32
      %lt3A_187 = arith.cmpi slt, %add3A_185, %lt3A_186 : i32
      %convert_element_type3A_188 = arith.extui %lt3A_187 : i1 to i32
      %cond3A_189 = arith.constant 0 : i32
      %cond3A_190 = arith.cmpi ne, %convert_element_type3A_188, %cond3A_189 : i32
      scf.if %cond3A_190 {
        %ge3A = arith.constant 16 : i32
        %ge3A_485 = arith.cmpi sge, %add3A_185, %ge3A : i32
        %convert_element_type3A_486 = arith.extui %ge3A_485 : i1 to i32
        %cond3A_487 = arith.constant 0 : i32
        %cond3A_488 = arith.cmpi ne, %convert_element_type3A_486, %cond3A_487 : i32
        scf.if %cond3A_488 {
          %sub3A = arith.constant 16 : i32
          %sub3A_495 = arith.subi %add3A_185, %sub3A : i32
          %dma_wait3A_496 = arith.constant 0 : i32
          %dma_wait3A_497 = arith.constant 0 : i32
          %dma_wait3A_498 = tpu.memref_slice %arg2[%dma_wait3A_496, %sub3A_495, %dma_wait3A_497] : memref<64x256x768xf32, #tpu.memory_space<any>> -> memref<64x1x768xf32, #tpu.memory_space<any>>
          %dma_wait3A_499 = tpu.memref_squeeze %dma_wait3A_498 : memref<64x1x768xf32, #tpu.memory_space<any>> -> memref<64x768xf32, #tpu.memory_space<any>>
          tpu.wait_dma2 semaphore(%arg48 : memref<!tpu.dma_semaphore, #tpu.memory_space<semaphore_mem>>) src(%arg16 : memref<64x768xf32, #tpu.memory_space<vmem>>) dst(%dma_wait3A_499 : memref<64x768xf32, #tpu.memory_space<any>>)
        } else {
        }
        %get3A_489 = arith.index_cast %add3A_185 : i32 to index
        %get3A_490 = memref.load %arg0[%get3A_489] : memref<256xi32, #tpu.memory_space<smem>>
        %dma_start3A_491 = arith.constant 0 : i32
        %dma_start3A_492 = arith.constant 0 : i32
        %dma_start3A_493 = tpu.memref_slice %arg1[%dma_start3A_491, %get3A_490, %dma_start3A_492] : memref<64x1024x768xf32, #tpu.memory_space<any>> -> memref<64x1x768xf32, #tpu.memory_space<any>>
        %dma_start3A_494 = tpu.memref_squeeze %dma_start3A_493 : memref<64x1x768xf32, #tpu.memory_space<any>> -> memref<64x768xf32, #tpu.memory_space<any>>
        tpu.enqueue_dma source(%dma_start3A_494 : memref<64x768xf32, #tpu.memory_space<any>>) target(%arg16 : memref<64x768xf32, #tpu.memory_space<vmem>>) target_semaphore(%arg32 : memref<!tpu.dma_semaphore, #tpu.memory_space<semaphore_mem>>)
      } else {
      }
      %mul3A_191 = arith.constant 16 : i32
      %mul3A_192 = arith.muli %mul3A_191, %scan3A_153 : i32
      %add3A_193 = arith.constant 2 : i32
      %add3A_194 = arith.addi %mul3A_192, %add3A_193 : i32
      %get3A_195 = arith.index_cast %add3A_194 : i32 to index
      %get3A_196 = memref.load %arg0[%get3A_195] : memref<256xi32, #tpu.memory_space<smem>>
      %dma_wait3A_197 = arith.constant 0 : i32
      %dma_wait3A_198 = arith.constant 0 : i32
      %dma_wait3A_199 = tpu.memref_slice %arg1[%dma_wait3A_197, %get3A_196, %dma_wait3A_198] : memref<64x1024x768xf32, #tpu.memory_space<any>> -> memref<64x1x768xf32, #tpu.memory_space<any>>
      %dma_wait3A_200 = tpu.memref_squeeze %dma_wait3A_199 : memref<64x1x768xf32, #tpu.memory_space<any>> -> memref<64x768xf32, #tpu.memory_space<any>>
      tpu.wait_dma2 semaphore(%arg21 : memref<!tpu.dma_semaphore, #tpu.memory_space<semaphore_mem>>) src(%dma_wait3A_200 : memref<64x768xf32, #tpu.memory_space<any>>) dst(%arg5 : memref<64x768xf32, #tpu.memory_space<vmem>>)
      %dma_start3A_201 = arith.constant 0 : i32
      %dma_start3A_202 = arith.constant 0 : i32
      %dma_start3A_203 = tpu.memref_slice %arg2[%dma_start3A_201, %add3A_194, %dma_start3A_202] : memref<64x256x768xf32, #tpu.memory_space<any>> -> memref<64x1x768xf32, #tpu.memory_space<any>>
      %dma_start3A_204 = tpu.memref_squeeze %dma_start3A_203 : memref<64x1x768xf32, #tpu.memory_space<any>> -> memref<64x768xf32, #tpu.memory_space<any>>
      tpu.enqueue_dma source(%arg5 : memref<64x768xf32, #tpu.memory_space<vmem>>) target(%dma_start3A_204 : memref<64x768xf32, #tpu.memory_space<any>>) target_semaphore(%arg37 : memref<!tpu.dma_semaphore, #tpu.memory_space<semaphore_mem>>)
      %add3A_205 = arith.constant 12 : i32
      %add3A_206 = arith.addi %add3A_194, %add3A_205 : i32
      %lt3A_207 = arith.constant 256 : i32
      %lt3A_208 = arith.cmpi slt, %add3A_206, %lt3A_207 : i32
      %convert_element_type3A_209 = arith.extui %lt3A_208 : i1 to i32
      %cond3A_210 = arith.constant 0 : i32
      %cond3A_211 = arith.cmpi ne, %convert_element_type3A_209, %cond3A_210 : i32
      scf.if %cond3A_211 {
        %ge3A = arith.constant 16 : i32
        %ge3A_485 = arith.cmpi sge, %add3A_206, %ge3A : i32
        %convert_element_type3A_486 = arith.extui %ge3A_485 : i1 to i32
        %cond3A_487 = arith.constant 0 : i32
        %cond3A_488 = arith.cmpi ne, %convert_element_type3A_486, %cond3A_487 : i32
        scf.if %cond3A_488 {
          %sub3A = arith.constant 16 : i32
          %sub3A_495 = arith.subi %add3A_206, %sub3A : i32
          %dma_wait3A_496 = arith.constant 0 : i32
          %dma_wait3A_497 = arith.constant 0 : i32
          %dma_wait3A_498 = tpu.memref_slice %arg2[%dma_wait3A_496, %sub3A_495, %dma_wait3A_497] : memref<64x256x768xf32, #tpu.memory_space<any>> -> memref<64x1x768xf32, #tpu.memory_space<any>>
          %dma_wait3A_499 = tpu.memref_squeeze %dma_wait3A_498 : memref<64x1x768xf32, #tpu.memory_space<any>> -> memref<64x768xf32, #tpu.memory_space<any>>
          tpu.wait_dma2 semaphore(%arg49 : memref<!tpu.dma_semaphore, #tpu.memory_space<semaphore_mem>>) src(%arg17 : memref<64x768xf32, #tpu.memory_space<vmem>>) dst(%dma_wait3A_499 : memref<64x768xf32, #tpu.memory_space<any>>)
        } else {
        }
        %get3A_489 = arith.index_cast %add3A_206 : i32 to index
        %get3A_490 = memref.load %arg0[%get3A_489] : memref<256xi32, #tpu.memory_space<smem>>
        %dma_start3A_491 = arith.constant 0 : i32
        %dma_start3A_492 = arith.constant 0 : i32
        %dma_start3A_493 = tpu.memref_slice %arg1[%dma_start3A_491, %get3A_490, %dma_start3A_492] : memref<64x1024x768xf32, #tpu.memory_space<any>> -> memref<64x1x768xf32, #tpu.memory_space<any>>
        %dma_start3A_494 = tpu.memref_squeeze %dma_start3A_493 : memref<64x1x768xf32, #tpu.memory_space<any>> -> memref<64x768xf32, #tpu.memory_space<any>>
        tpu.enqueue_dma source(%dma_start3A_494 : memref<64x768xf32, #tpu.memory_space<any>>) target(%arg17 : memref<64x768xf32, #tpu.memory_space<vmem>>) target_semaphore(%arg33 : memref<!tpu.dma_semaphore, #tpu.memory_space<semaphore_mem>>)
      } else {
      }
      %mul3A_212 = arith.constant 16 : i32
      %mul3A_213 = arith.muli %mul3A_212, %scan3A_153 : i32
      %add3A_214 = arith.constant 3 : i32
      %add3A_215 = arith.addi %mul3A_213, %add3A_214 : i32
      %get3A_216 = arith.index_cast %add3A_215 : i32 to index
      %get3A_217 = memref.load %arg0[%get3A_216] : memref<256xi32, #tpu.memory_space<smem>>
      %dma_wait3A_218 = arith.constant 0 : i32
      %dma_wait3A_219 = arith.constant 0 : i32
      %dma_wait3A_220 = tpu.memref_slice %arg1[%dma_wait3A_218, %get3A_217, %dma_wait3A_219] : memref<64x1024x768xf32, #tpu.memory_space<any>> -> memref<64x1x768xf32, #tpu.memory_space<any>>
      %dma_wait3A_221 = tpu.memref_squeeze %dma_wait3A_220 : memref<64x1x768xf32, #tpu.memory_space<any>> -> memref<64x768xf32, #tpu.memory_space<any>>
      tpu.wait_dma2 semaphore(%arg22 : memref<!tpu.dma_semaphore, #tpu.memory_space<semaphore_mem>>) src(%dma_wait3A_221 : memref<64x768xf32, #tpu.memory_space<any>>) dst(%arg6 : memref<64x768xf32, #tpu.memory_space<vmem>>)
      %dma_start3A_222 = arith.constant 0 : i32
      %dma_start3A_223 = arith.constant 0 : i32
      %dma_start3A_224 = tpu.memref_slice %arg2[%dma_start3A_222, %add3A_215, %dma_start3A_223] : memref<64x256x768xf32, #tpu.memory_space<any>> -> memref<64x1x768xf32, #tpu.memory_space<any>>
      %dma_start3A_225 = tpu.memref_squeeze %dma_start3A_224 : memref<64x1x768xf32, #tpu.memory_space<any>> -> memref<64x768xf32, #tpu.memory_space<any>>
      tpu.enqueue_dma source(%arg6 : memref<64x768xf32, #tpu.memory_space<vmem>>) target(%dma_start3A_225 : memref<64x768xf32, #tpu.memory_space<any>>) target_semaphore(%arg38 : memref<!tpu.dma_semaphore, #tpu.memory_space<semaphore_mem>>)
      %add3A_226 = arith.constant 12 : i32
      %add3A_227 = arith.addi %add3A_215, %add3A_226 : i32
      %lt3A_228 = arith.constant 256 : i32
      %lt3A_229 = arith.cmpi slt, %add3A_227, %lt3A_228 : i32
      %convert_element_type3A_230 = arith.extui %lt3A_229 : i1 to i32
      %cond3A_231 = arith.constant 0 : i32
      %cond3A_232 = arith.cmpi ne, %convert_element_type3A_230, %cond3A_231 : i32
      scf.if %cond3A_232 {
        %ge3A = arith.constant 16 : i32
        %ge3A_485 = arith.cmpi sge, %add3A_227, %ge3A : i32
        %convert_element_type3A_486 = arith.extui %ge3A_485 : i1 to i32
        %cond3A_487 = arith.constant 0 : i32
        %cond3A_488 = arith.cmpi ne, %convert_element_type3A_486, %cond3A_487 : i32
        scf.if %cond3A_488 {
          %sub3A = arith.constant 16 : i32
          %sub3A_495 = arith.subi %add3A_227, %sub3A : i32
          %dma_wait3A_496 = arith.constant 0 : i32
          %dma_wait3A_497 = arith.constant 0 : i32
          %dma_wait3A_498 = tpu.memref_slice %arg2[%dma_wait3A_496, %sub3A_495, %dma_wait3A_497] : memref<64x256x768xf32, #tpu.memory_space<any>> -> memref<64x1x768xf32, #tpu.memory_space<any>>
          %dma_wait3A_499 = tpu.memref_squeeze %dma_wait3A_498 : memref<64x1x768xf32, #tpu.memory_space<any>> -> memref<64x768xf32, #tpu.memory_space<any>>
          tpu.wait_dma2 semaphore(%arg50 : memref<!tpu.dma_semaphore, #tpu.memory_space<semaphore_mem>>) src(%arg18 : memref<64x768xf32, #tpu.memory_space<vmem>>) dst(%dma_wait3A_499 : memref<64x768xf32, #tpu.memory_space<any>>)
        } else {
        }
        %get3A_489 = arith.index_cast %add3A_227 : i32 to index
        %get3A_490 = memref.load %arg0[%get3A_489] : memref<256xi32, #tpu.memory_space<smem>>
        %dma_start3A_491 = arith.constant 0 : i32
        %dma_start3A_492 = arith.constant 0 : i32
        %dma_start3A_493 = tpu.memref_slice %arg1[%dma_start3A_491, %get3A_490, %dma_start3A_492] : memref<64x1024x768xf32, #tpu.memory_space<any>> -> memref<64x1x768xf32, #tpu.memory_space<any>>
        %dma_start3A_494 = tpu.memref_squeeze %dma_start3A_493 : memref<64x1x768xf32, #tpu.memory_space<any>> -> memref<64x768xf32, #tpu.memory_space<any>>
        tpu.enqueue_dma source(%dma_start3A_494 : memref<64x768xf32, #tpu.memory_space<any>>) target(%arg18 : memref<64x768xf32, #tpu.memory_space<vmem>>) target_semaphore(%arg34 : memref<!tpu.dma_semaphore, #tpu.memory_space<semaphore_mem>>)
      } else {
      }
      %mul3A_233 = arith.constant 16 : i32
      %mul3A_234 = arith.muli %mul3A_233, %scan3A_153 : i32
      %add3A_235 = arith.constant 4 : i32
      %add3A_236 = arith.addi %mul3A_234, %add3A_235 : i32
      %get3A_237 = arith.index_cast %add3A_236 : i32 to index
      %get3A_238 = memref.load %arg0[%get3A_237] : memref<256xi32, #tpu.memory_space<smem>>
      %dma_wait3A_239 = arith.constant 0 : i32
      %dma_wait3A_240 = arith.constant 0 : i32
      %dma_wait3A_241 = tpu.memref_slice %arg1[%dma_wait3A_239, %get3A_238, %dma_wait3A_240] : memref<64x1024x768xf32, #tpu.memory_space<any>> -> memref<64x1x768xf32, #tpu.memory_space<any>>
      %dma_wait3A_242 = tpu.memref_squeeze %dma_wait3A_241 : memref<64x1x768xf32, #tpu.memory_space<any>> -> memref<64x768xf32, #tpu.memory_space<any>>
      tpu.wait_dma2 semaphore(%arg23 : memref<!tpu.dma_semaphore, #tpu.memory_space<semaphore_mem>>) src(%dma_wait3A_242 : memref<64x768xf32, #tpu.memory_space<any>>) dst(%arg7 : memref<64x768xf32, #tpu.memory_space<vmem>>)
      %dma_start3A_243 = arith.constant 0 : i32
      %dma_start3A_244 = arith.constant 0 : i32
      %dma_start3A_245 = tpu.memref_slice %arg2[%dma_start3A_243, %add3A_236, %dma_start3A_244] : memref<64x256x768xf32, #tpu.memory_space<any>> -> memref<64x1x768xf32, #tpu.memory_space<any>>
      %dma_start3A_246 = tpu.memref_squeeze %dma_start3A_245 : memref<64x1x768xf32, #tpu.memory_space<any>> -> memref<64x768xf32, #tpu.memory_space<any>>
      tpu.enqueue_dma source(%arg7 : memref<64x768xf32, #tpu.memory_space<vmem>>) target(%dma_start3A_246 : memref<64x768xf32, #tpu.memory_space<any>>) target_semaphore(%arg39 : memref<!tpu.dma_semaphore, #tpu.memory_space<semaphore_mem>>)
      %add3A_247 = arith.constant 12 : i32
      %add3A_248 = arith.addi %add3A_236, %add3A_247 : i32
      %lt3A_249 = arith.constant 256 : i32
      %lt3A_250 = arith.cmpi slt, %add3A_248, %lt3A_249 : i32
      %convert_element_type3A_251 = arith.extui %lt3A_250 : i1 to i32
      %cond3A_252 = arith.constant 0 : i32
      %cond3A_253 = arith.cmpi ne, %convert_element_type3A_251, %cond3A_252 : i32
      scf.if %cond3A_253 {
        %ge3A = arith.constant 16 : i32
        %ge3A_485 = arith.cmpi sge, %add3A_248, %ge3A : i32
        %convert_element_type3A_486 = arith.extui %ge3A_485 : i1 to i32
        %cond3A_487 = arith.constant 0 : i32
        %cond3A_488 = arith.cmpi ne, %convert_element_type3A_486, %cond3A_487 : i32
        scf.if %cond3A_488 {
          %sub3A = arith.constant 16 : i32
          %sub3A_495 = arith.subi %add3A_248, %sub3A : i32
          %dma_wait3A_496 = arith.constant 0 : i32
          %dma_wait3A_497 = arith.constant 0 : i32
          %dma_wait3A_498 = tpu.memref_slice %arg2[%dma_wait3A_496, %sub3A_495, %dma_wait3A_497] : memref<64x256x768xf32, #tpu.memory_space<any>> -> memref<64x1x768xf32, #tpu.memory_space<any>>
          %dma_wait3A_499 = tpu.memref_squeeze %dma_wait3A_498 : memref<64x1x768xf32, #tpu.memory_space<any>> -> memref<64x768xf32, #tpu.memory_space<any>>
          tpu.wait_dma2 semaphore(%arg35 : memref<!tpu.dma_semaphore, #tpu.memory_space<semaphore_mem>>) src(%arg3 : memref<64x768xf32, #tpu.memory_space<vmem>>) dst(%dma_wait3A_499 : memref<64x768xf32, #tpu.memory_space<any>>)
        } else {
        }
        %get3A_489 = arith.index_cast %add3A_248 : i32 to index
        %get3A_490 = memref.load %arg0[%get3A_489] : memref<256xi32, #tpu.memory_space<smem>>
        %dma_start3A_491 = arith.constant 0 : i32
        %dma_start3A_492 = arith.constant 0 : i32
        %dma_start3A_493 = tpu.memref_slice %arg1[%dma_start3A_491, %get3A_490, %dma_start3A_492] : memref<64x1024x768xf32, #tpu.memory_space<any>> -> memref<64x1x768xf32, #tpu.memory_space<any>>
        %dma_start3A_494 = tpu.memref_squeeze %dma_start3A_493 : memref<64x1x768xf32, #tpu.memory_space<any>> -> memref<64x768xf32, #tpu.memory_space<any>>
        tpu.enqueue_dma source(%dma_start3A_494 : memref<64x768xf32, #tpu.memory_space<any>>) target(%arg3 : memref<64x768xf32, #tpu.memory_space<vmem>>) target_semaphore(%arg19 : memref<!tpu.dma_semaphore, #tpu.memory_space<semaphore_mem>>)
      } else {
      }
      %mul3A_254 = arith.constant 16 : i32
      %mul3A_255 = arith.muli %mul3A_254, %scan3A_153 : i32
      %add3A_256 = arith.constant 5 : i32
      %add3A_257 = arith.addi %mul3A_255, %add3A_256 : i32
      %get3A_258 = arith.index_cast %add3A_257 : i32 to index
      %get3A_259 = memref.load %arg0[%get3A_258] : memref<256xi32, #tpu.memory_space<smem>>
      %dma_wait3A_260 = arith.constant 0 : i32
      %dma_wait3A_261 = arith.constant 0 : i32
      %dma_wait3A_262 = tpu.memref_slice %arg1[%dma_wait3A_260, %get3A_259, %dma_wait3A_261] : memref<64x1024x768xf32, #tpu.memory_space<any>> -> memref<64x1x768xf32, #tpu.memory_space<any>>
      %dma_wait3A_263 = tpu.memref_squeeze %dma_wait3A_262 : memref<64x1x768xf32, #tpu.memory_space<any>> -> memref<64x768xf32, #tpu.memory_space<any>>
      tpu.wait_dma2 semaphore(%arg24 : memref<!tpu.dma_semaphore, #tpu.memory_space<semaphore_mem>>) src(%dma_wait3A_263 : memref<64x768xf32, #tpu.memory_space<any>>) dst(%arg8 : memref<64x768xf32, #tpu.memory_space<vmem>>)
      %dma_start3A_264 = arith.constant 0 : i32
      %dma_start3A_265 = arith.constant 0 : i32
      %dma_start3A_266 = tpu.memref_slice %arg2[%dma_start3A_264, %add3A_257, %dma_start3A_265] : memref<64x256x768xf32, #tpu.memory_space<any>> -> memref<64x1x768xf32, #tpu.memory_space<any>>
      %dma_start3A_267 = tpu.memref_squeeze %dma_start3A_266 : memref<64x1x768xf32, #tpu.memory_space<any>> -> memref<64x768xf32, #tpu.memory_space<any>>
      tpu.enqueue_dma source(%arg8 : memref<64x768xf32, #tpu.memory_space<vmem>>) target(%dma_start3A_267 : memref<64x768xf32, #tpu.memory_space<any>>) target_semaphore(%arg40 : memref<!tpu.dma_semaphore, #tpu.memory_space<semaphore_mem>>)
      %add3A_268 = arith.constant 12 : i32
      %add3A_269 = arith.addi %add3A_257, %add3A_268 : i32
      %lt3A_270 = arith.constant 256 : i32
      %lt3A_271 = arith.cmpi slt, %add3A_269, %lt3A_270 : i32
      %convert_element_type3A_272 = arith.extui %lt3A_271 : i1 to i32
      %cond3A_273 = arith.constant 0 : i32
      %cond3A_274 = arith.cmpi ne, %convert_element_type3A_272, %cond3A_273 : i32
      scf.if %cond3A_274 {
        %ge3A = arith.constant 16 : i32
        %ge3A_485 = arith.cmpi sge, %add3A_269, %ge3A : i32
        %convert_element_type3A_486 = arith.extui %ge3A_485 : i1 to i32
        %cond3A_487 = arith.constant 0 : i32
        %cond3A_488 = arith.cmpi ne, %convert_element_type3A_486, %cond3A_487 : i32
        scf.if %cond3A_488 {
          %sub3A = arith.constant 16 : i32
          %sub3A_495 = arith.subi %add3A_269, %sub3A : i32
          %dma_wait3A_496 = arith.constant 0 : i32
          %dma_wait3A_497 = arith.constant 0 : i32
          %dma_wait3A_498 = tpu.memref_slice %arg2[%dma_wait3A_496, %sub3A_495, %dma_wait3A_497] : memref<64x256x768xf32, #tpu.memory_space<any>> -> memref<64x1x768xf32, #tpu.memory_space<any>>
          %dma_wait3A_499 = tpu.memref_squeeze %dma_wait3A_498 : memref<64x1x768xf32, #tpu.memory_space<any>> -> memref<64x768xf32, #tpu.memory_space<any>>
          tpu.wait_dma2 semaphore(%arg36 : memref<!tpu.dma_semaphore, #tpu.memory_space<semaphore_mem>>) src(%arg4 : memref<64x768xf32, #tpu.memory_space<vmem>>) dst(%dma_wait3A_499 : memref<64x768xf32, #tpu.memory_space<any>>)
        } else {
        }
        %get3A_489 = arith.index_cast %add3A_269 : i32 to index
        %get3A_490 = memref.load %arg0[%get3A_489] : memref<256xi32, #tpu.memory_space<smem>>
        %dma_start3A_491 = arith.constant 0 : i32
        %dma_start3A_492 = arith.constant 0 : i32
        %dma_start3A_493 = tpu.memref_slice %arg1[%dma_start3A_491, %get3A_490, %dma_start3A_492] : memref<64x1024x768xf32, #tpu.memory_space<any>> -> memref<64x1x768xf32, #tpu.memory_space<any>>
        %dma_start3A_494 = tpu.memref_squeeze %dma_start3A_493 : memref<64x1x768xf32, #tpu.memory_space<any>> -> memref<64x768xf32, #tpu.memory_space<any>>
        tpu.enqueue_dma source(%dma_start3A_494 : memref<64x768xf32, #tpu.memory_space<any>>) target(%arg4 : memref<64x768xf32, #tpu.memory_space<vmem>>) target_semaphore(%arg20 : memref<!tpu.dma_semaphore, #tpu.memory_space<semaphore_mem>>)
      } else {
      }
      %mul3A_275 = arith.constant 16 : i32
      %mul3A_276 = arith.muli %mul3A_275, %scan3A_153 : i32
      %add3A_277 = arith.constant 6 : i32
      %add3A_278 = arith.addi %mul3A_276, %add3A_277 : i32
      %get3A_279 = arith.index_cast %add3A_278 : i32 to index
      %get3A_280 = memref.load %arg0[%get3A_279] : memref<256xi32, #tpu.memory_space<smem>>
      %dma_wait3A_281 = arith.constant 0 : i32
      %dma_wait3A_282 = arith.constant 0 : i32
      %dma_wait3A_283 = tpu.memref_slice %arg1[%dma_wait3A_281, %get3A_280, %dma_wait3A_282] : memref<64x1024x768xf32, #tpu.memory_space<any>> -> memref<64x1x768xf32, #tpu.memory_space<any>>
      %dma_wait3A_284 = tpu.memref_squeeze %dma_wait3A_283 : memref<64x1x768xf32, #tpu.memory_space<any>> -> memref<64x768xf32, #tpu.memory_space<any>>
      tpu.wait_dma2 semaphore(%arg25 : memref<!tpu.dma_semaphore, #tpu.memory_space<semaphore_mem>>) src(%dma_wait3A_284 : memref<64x768xf32, #tpu.memory_space<any>>) dst(%arg9 : memref<64x768xf32, #tpu.memory_space<vmem>>)
      %dma_start3A_285 = arith.constant 0 : i32
      %dma_start3A_286 = arith.constant 0 : i32
      %dma_start3A_287 = tpu.memref_slice %arg2[%dma_start3A_285, %add3A_278, %dma_start3A_286] : memref<64x256x768xf32, #tpu.memory_space<any>> -> memref<64x1x768xf32, #tpu.memory_space<any>>
      %dma_start3A_288 = tpu.memref_squeeze %dma_start3A_287 : memref<64x1x768xf32, #tpu.memory_space<any>> -> memref<64x768xf32, #tpu.memory_space<any>>
      tpu.enqueue_dma source(%arg9 : memref<64x768xf32, #tpu.memory_space<vmem>>) target(%dma_start3A_288 : memref<64x768xf32, #tpu.memory_space<any>>) target_semaphore(%arg41 : memref<!tpu.dma_semaphore, #tpu.memory_space<semaphore_mem>>)
      %add3A_289 = arith.constant 12 : i32
      %add3A_290 = arith.addi %add3A_278, %add3A_289 : i32
      %lt3A_291 = arith.constant 256 : i32
      %lt3A_292 = arith.cmpi slt, %add3A_290, %lt3A_291 : i32
      %convert_element_type3A_293 = arith.extui %lt3A_292 : i1 to i32
      %cond3A_294 = arith.constant 0 : i32
      %cond3A_295 = arith.cmpi ne, %convert_element_type3A_293, %cond3A_294 : i32
      scf.if %cond3A_295 {
        %ge3A = arith.constant 16 : i32
        %ge3A_485 = arith.cmpi sge, %add3A_290, %ge3A : i32
        %convert_element_type3A_486 = arith.extui %ge3A_485 : i1 to i32
        %cond3A_487 = arith.constant 0 : i32
        %cond3A_488 = arith.cmpi ne, %convert_element_type3A_486, %cond3A_487 : i32
        scf.if %cond3A_488 {
          %sub3A = arith.constant 16 : i32
          %sub3A_495 = arith.subi %add3A_290, %sub3A : i32
          %dma_wait3A_496 = arith.constant 0 : i32
          %dma_wait3A_497 = arith.constant 0 : i32
          %dma_wait3A_498 = tpu.memref_slice %arg2[%dma_wait3A_496, %sub3A_495, %dma_wait3A_497] : memref<64x256x768xf32, #tpu.memory_space<any>> -> memref<64x1x768xf32, #tpu.memory_space<any>>
          %dma_wait3A_499 = tpu.memref_squeeze %dma_wait3A_498 : memref<64x1x768xf32, #tpu.memory_space<any>> -> memref<64x768xf32, #tpu.memory_space<any>>
          tpu.wait_dma2 semaphore(%arg37 : memref<!tpu.dma_semaphore, #tpu.memory_space<semaphore_mem>>) src(%arg5 : memref<64x768xf32, #tpu.memory_space<vmem>>) dst(%dma_wait3A_499 : memref<64x768xf32, #tpu.memory_space<any>>)
        } else {
        }
        %get3A_489 = arith.index_cast %add3A_290 : i32 to index
        %get3A_490 = memref.load %arg0[%get3A_489] : memref<256xi32, #tpu.memory_space<smem>>
        %dma_start3A_491 = arith.constant 0 : i32
        %dma_start3A_492 = arith.constant 0 : i32
        %dma_start3A_493 = tpu.memref_slice %arg1[%dma_start3A_491, %get3A_490, %dma_start3A_492] : memref<64x1024x768xf32, #tpu.memory_space<any>> -> memref<64x1x768xf32, #tpu.memory_space<any>>
        %dma_start3A_494 = tpu.memref_squeeze %dma_start3A_493 : memref<64x1x768xf32, #tpu.memory_space<any>> -> memref<64x768xf32, #tpu.memory_space<any>>
        tpu.enqueue_dma source(%dma_start3A_494 : memref<64x768xf32, #tpu.memory_space<any>>) target(%arg5 : memref<64x768xf32, #tpu.memory_space<vmem>>) target_semaphore(%arg21 : memref<!tpu.dma_semaphore, #tpu.memory_space<semaphore_mem>>)
      } else {
      }
      %mul3A_296 = arith.constant 16 : i32
      %mul3A_297 = arith.muli %mul3A_296, %scan3A_153 : i32
      %add3A_298 = arith.constant 7 : i32
      %add3A_299 = arith.addi %mul3A_297, %add3A_298 : i32
      %get3A_300 = arith.index_cast %add3A_299 : i32 to index
      %get3A_301 = memref.load %arg0[%get3A_300] : memref<256xi32, #tpu.memory_space<smem>>
      %dma_wait3A_302 = arith.constant 0 : i32
      %dma_wait3A_303 = arith.constant 0 : i32
      %dma_wait3A_304 = tpu.memref_slice %arg1[%dma_wait3A_302, %get3A_301, %dma_wait3A_303] : memref<64x1024x768xf32, #tpu.memory_space<any>> -> memref<64x1x768xf32, #tpu.memory_space<any>>
      %dma_wait3A_305 = tpu.memref_squeeze %dma_wait3A_304 : memref<64x1x768xf32, #tpu.memory_space<any>> -> memref<64x768xf32, #tpu.memory_space<any>>
      tpu.wait_dma2 semaphore(%arg26 : memref<!tpu.dma_semaphore, #tpu.memory_space<semaphore_mem>>) src(%dma_wait3A_305 : memref<64x768xf32, #tpu.memory_space<any>>) dst(%arg10 : memref<64x768xf32, #tpu.memory_space<vmem>>)
      %dma_start3A_306 = arith.constant 0 : i32
      %dma_start3A_307 = arith.constant 0 : i32
      %dma_start3A_308 = tpu.memref_slice %arg2[%dma_start3A_306, %add3A_299, %dma_start3A_307] : memref<64x256x768xf32, #tpu.memory_space<any>> -> memref<64x1x768xf32, #tpu.memory_space<any>>
      %dma_start3A_309 = tpu.memref_squeeze %dma_start3A_308 : memref<64x1x768xf32, #tpu.memory_space<any>> -> memref<64x768xf32, #tpu.memory_space<any>>
      tpu.enqueue_dma source(%arg10 : memref<64x768xf32, #tpu.memory_space<vmem>>) target(%dma_start3A_309 : memref<64x768xf32, #tpu.memory_space<any>>) target_semaphore(%arg42 : memref<!tpu.dma_semaphore, #tpu.memory_space<semaphore_mem>>)
      %add3A_310 = arith.constant 12 : i32
      %add3A_311 = arith.addi %add3A_299, %add3A_310 : i32
      %lt3A_312 = arith.constant 256 : i32
      %lt3A_313 = arith.cmpi slt, %add3A_311, %lt3A_312 : i32
      %convert_element_type3A_314 = arith.extui %lt3A_313 : i1 to i32
      %cond3A_315 = arith.constant 0 : i32
      %cond3A_316 = arith.cmpi ne, %convert_element_type3A_314, %cond3A_315 : i32
      scf.if %cond3A_316 {
        %ge3A = arith.constant 16 : i32
        %ge3A_485 = arith.cmpi sge, %add3A_311, %ge3A : i32
        %convert_element_type3A_486 = arith.extui %ge3A_485 : i1 to i32
        %cond3A_487 = arith.constant 0 : i32
        %cond3A_488 = arith.cmpi ne, %convert_element_type3A_486, %cond3A_487 : i32
        scf.if %cond3A_488 {
          %sub3A = arith.constant 16 : i32
          %sub3A_495 = arith.subi %add3A_311, %sub3A : i32
          %dma_wait3A_496 = arith.constant 0 : i32
          %dma_wait3A_497 = arith.constant 0 : i32
          %dma_wait3A_498 = tpu.memref_slice %arg2[%dma_wait3A_496, %sub3A_495, %dma_wait3A_497] : memref<64x256x768xf32, #tpu.memory_space<any>> -> memref<64x1x768xf32, #tpu.memory_space<any>>
          %dma_wait3A_499 = tpu.memref_squeeze %dma_wait3A_498 : memref<64x1x768xf32, #tpu.memory_space<any>> -> memref<64x768xf32, #tpu.memory_space<any>>
          tpu.wait_dma2 semaphore(%arg38 : memref<!tpu.dma_semaphore, #tpu.memory_space<semaphore_mem>>) src(%arg6 : memref<64x768xf32, #tpu.memory_space<vmem>>) dst(%dma_wait3A_499 : memref<64x768xf32, #tpu.memory_space<any>>)
        } else {
        }
        %get3A_489 = arith.index_cast %add3A_311 : i32 to index
        %get3A_490 = memref.load %arg0[%get3A_489] : memref<256xi32, #tpu.memory_space<smem>>
        %dma_start3A_491 = arith.constant 0 : i32
        %dma_start3A_492 = arith.constant 0 : i32
        %dma_start3A_493 = tpu.memref_slice %arg1[%dma_start3A_491, %get3A_490, %dma_start3A_492] : memref<64x1024x768xf32, #tpu.memory_space<any>> -> memref<64x1x768xf32, #tpu.memory_space<any>>
        %dma_start3A_494 = tpu.memref_squeeze %dma_start3A_493 : memref<64x1x768xf32, #tpu.memory_space<any>> -> memref<64x768xf32, #tpu.memory_space<any>>
        tpu.enqueue_dma source(%dma_start3A_494 : memref<64x768xf32, #tpu.memory_space<any>>) target(%arg6 : memref<64x768xf32, #tpu.memory_space<vmem>>) target_semaphore(%arg22 : memref<!tpu.dma_semaphore, #tpu.memory_space<semaphore_mem>>)
      } else {
      }
      %mul3A_317 = arith.constant 16 : i32
      %mul3A_318 = arith.muli %mul3A_317, %scan3A_153 : i32
      %add3A_319 = arith.constant 8 : i32
      %add3A_320 = arith.addi %mul3A_318, %add3A_319 : i32
      %get3A_321 = arith.index_cast %add3A_320 : i32 to index
      %get3A_322 = memref.load %arg0[%get3A_321] : memref<256xi32, #tpu.memory_space<smem>>
      %dma_wait3A_323 = arith.constant 0 : i32
      %dma_wait3A_324 = arith.constant 0 : i32
      %dma_wait3A_325 = tpu.memref_slice %arg1[%dma_wait3A_323, %get3A_322, %dma_wait3A_324] : memref<64x1024x768xf32, #tpu.memory_space<any>> -> memref<64x1x768xf32, #tpu.memory_space<any>>
      %dma_wait3A_326 = tpu.memref_squeeze %dma_wait3A_325 : memref<64x1x768xf32, #tpu.memory_space<any>> -> memref<64x768xf32, #tpu.memory_space<any>>
      tpu.wait_dma2 semaphore(%arg27 : memref<!tpu.dma_semaphore, #tpu.memory_space<semaphore_mem>>) src(%dma_wait3A_326 : memref<64x768xf32, #tpu.memory_space<any>>) dst(%arg11 : memref<64x768xf32, #tpu.memory_space<vmem>>)
      %dma_start3A_327 = arith.constant 0 : i32
      %dma_start3A_328 = arith.constant 0 : i32
      %dma_start3A_329 = tpu.memref_slice %arg2[%dma_start3A_327, %add3A_320, %dma_start3A_328] : memref<64x256x768xf32, #tpu.memory_space<any>> -> memref<64x1x768xf32, #tpu.memory_space<any>>
      %dma_start3A_330 = tpu.memref_squeeze %dma_start3A_329 : memref<64x1x768xf32, #tpu.memory_space<any>> -> memref<64x768xf32, #tpu.memory_space<any>>
      tpu.enqueue_dma source(%arg11 : memref<64x768xf32, #tpu.memory_space<vmem>>) target(%dma_start3A_330 : memref<64x768xf32, #tpu.memory_space<any>>) target_semaphore(%arg43 : memref<!tpu.dma_semaphore, #tpu.memory_space<semaphore_mem>>)
      %add3A_331 = arith.constant 12 : i32
      %add3A_332 = arith.addi %add3A_320, %add3A_331 : i32
      %lt3A_333 = arith.constant 256 : i32
      %lt3A_334 = arith.cmpi slt, %add3A_332, %lt3A_333 : i32
      %convert_element_type3A_335 = arith.extui %lt3A_334 : i1 to i32
      %cond3A_336 = arith.constant 0 : i32
      %cond3A_337 = arith.cmpi ne, %convert_element_type3A_335, %cond3A_336 : i32
      scf.if %cond3A_337 {
        %ge3A = arith.constant 16 : i32
        %ge3A_485 = arith.cmpi sge, %add3A_332, %ge3A : i32
        %convert_element_type3A_486 = arith.extui %ge3A_485 : i1 to i32
        %cond3A_487 = arith.constant 0 : i32
        %cond3A_488 = arith.cmpi ne, %convert_element_type3A_486, %cond3A_487 : i32
        scf.if %cond3A_488 {
          %sub3A = arith.constant 16 : i32
          %sub3A_495 = arith.subi %add3A_332, %sub3A : i32
          %dma_wait3A_496 = arith.constant 0 : i32
          %dma_wait3A_497 = arith.constant 0 : i32
          %dma_wait3A_498 = tpu.memref_slice %arg2[%dma_wait3A_496, %sub3A_495, %dma_wait3A_497] : memref<64x256x768xf32, #tpu.memory_space<any>> -> memref<64x1x768xf32, #tpu.memory_space<any>>
          %dma_wait3A_499 = tpu.memref_squeeze %dma_wait3A_498 : memref<64x1x768xf32, #tpu.memory_space<any>> -> memref<64x768xf32, #tpu.memory_space<any>>
          tpu.wait_dma2 semaphore(%arg39 : memref<!tpu.dma_semaphore, #tpu.memory_space<semaphore_mem>>) src(%arg7 : memref<64x768xf32, #tpu.memory_space<vmem>>) dst(%dma_wait3A_499 : memref<64x768xf32, #tpu.memory_space<any>>)
        } else {
        }
        %get3A_489 = arith.index_cast %add3A_332 : i32 to index
        %get3A_490 = memref.load %arg0[%get3A_489] : memref<256xi32, #tpu.memory_space<smem>>
        %dma_start3A_491 = arith.constant 0 : i32
        %dma_start3A_492 = arith.constant 0 : i32
        %dma_start3A_493 = tpu.memref_slice %arg1[%dma_start3A_491, %get3A_490, %dma_start3A_492] : memref<64x1024x768xf32, #tpu.memory_space<any>> -> memref<64x1x768xf32, #tpu.memory_space<any>>
        %dma_start3A_494 = tpu.memref_squeeze %dma_start3A_493 : memref<64x1x768xf32, #tpu.memory_space<any>> -> memref<64x768xf32, #tpu.memory_space<any>>
        tpu.enqueue_dma source(%dma_start3A_494 : memref<64x768xf32, #tpu.memory_space<any>>) target(%arg7 : memref<64x768xf32, #tpu.memory_space<vmem>>) target_semaphore(%arg23 : memref<!tpu.dma_semaphore, #tpu.memory_space<semaphore_mem>>)
      } else {
      }
      %mul3A_338 = arith.constant 16 : i32
      %mul3A_339 = arith.muli %mul3A_338, %scan3A_153 : i32
      %add3A_340 = arith.constant 9 : i32
      %add3A_341 = arith.addi %mul3A_339, %add3A_340 : i32
      %get3A_342 = arith.index_cast %add3A_341 : i32 to index
      %get3A_343 = memref.load %arg0[%get3A_342] : memref<256xi32, #tpu.memory_space<smem>>
      %dma_wait3A_344 = arith.constant 0 : i32
      %dma_wait3A_345 = arith.constant 0 : i32
      %dma_wait3A_346 = tpu.memref_slice %arg1[%dma_wait3A_344, %get3A_343, %dma_wait3A_345] : memref<64x1024x768xf32, #tpu.memory_space<any>> -> memref<64x1x768xf32, #tpu.memory_space<any>>
      %dma_wait3A_347 = tpu.memref_squeeze %dma_wait3A_346 : memref<64x1x768xf32, #tpu.memory_space<any>> -> memref<64x768xf32, #tpu.memory_space<any>>
      tpu.wait_dma2 semaphore(%arg28 : memref<!tpu.dma_semaphore, #tpu.memory_space<semaphore_mem>>) src(%dma_wait3A_347 : memref<64x768xf32, #tpu.memory_space<any>>) dst(%arg12 : memref<64x768xf32, #tpu.memory_space<vmem>>)
      %dma_start3A_348 = arith.constant 0 : i32
      %dma_start3A_349 = arith.constant 0 : i32
      %dma_start3A_350 = tpu.memref_slice %arg2[%dma_start3A_348, %add3A_341, %dma_start3A_349] : memref<64x256x768xf32, #tpu.memory_space<any>> -> memref<64x1x768xf32, #tpu.memory_space<any>>
      %dma_start3A_351 = tpu.memref_squeeze %dma_start3A_350 : memref<64x1x768xf32, #tpu.memory_space<any>> -> memref<64x768xf32, #tpu.memory_space<any>>
      tpu.enqueue_dma source(%arg12 : memref<64x768xf32, #tpu.memory_space<vmem>>) target(%dma_start3A_351 : memref<64x768xf32, #tpu.memory_space<any>>) target_semaphore(%arg44 : memref<!tpu.dma_semaphore, #tpu.memory_space<semaphore_mem>>)
      %add3A_352 = arith.constant 12 : i32
      %add3A_353 = arith.addi %add3A_341, %add3A_352 : i32
      %lt3A_354 = arith.constant 256 : i32
      %lt3A_355 = arith.cmpi slt, %add3A_353, %lt3A_354 : i32
      %convert_element_type3A_356 = arith.extui %lt3A_355 : i1 to i32
      %cond3A_357 = arith.constant 0 : i32
      %cond3A_358 = arith.cmpi ne, %convert_element_type3A_356, %cond3A_357 : i32
      scf.if %cond3A_358 {
        %ge3A = arith.constant 16 : i32
        %ge3A_485 = arith.cmpi sge, %add3A_353, %ge3A : i32
        %convert_element_type3A_486 = arith.extui %ge3A_485 : i1 to i32
        %cond3A_487 = arith.constant 0 : i32
        %cond3A_488 = arith.cmpi ne, %convert_element_type3A_486, %cond3A_487 : i32
        scf.if %cond3A_488 {
          %sub3A = arith.constant 16 : i32
          %sub3A_495 = arith.subi %add3A_353, %sub3A : i32
          %dma_wait3A_496 = arith.constant 0 : i32
          %dma_wait3A_497 = arith.constant 0 : i32
          %dma_wait3A_498 = tpu.memref_slice %arg2[%dma_wait3A_496, %sub3A_495, %dma_wait3A_497] : memref<64x256x768xf32, #tpu.memory_space<any>> -> memref<64x1x768xf32, #tpu.memory_space<any>>
          %dma_wait3A_499 = tpu.memref_squeeze %dma_wait3A_498 : memref<64x1x768xf32, #tpu.memory_space<any>> -> memref<64x768xf32, #tpu.memory_space<any>>
          tpu.wait_dma2 semaphore(%arg40 : memref<!tpu.dma_semaphore, #tpu.memory_space<semaphore_mem>>) src(%arg8 : memref<64x768xf32, #tpu.memory_space<vmem>>) dst(%dma_wait3A_499 : memref<64x768xf32, #tpu.memory_space<any>>)
        } else {
        }
        %get3A_489 = arith.index_cast %add3A_353 : i32 to index
        %get3A_490 = memref.load %arg0[%get3A_489] : memref<256xi32, #tpu.memory_space<smem>>
        %dma_start3A_491 = arith.constant 0 : i32
        %dma_start3A_492 = arith.constant 0 : i32
        %dma_start3A_493 = tpu.memref_slice %arg1[%dma_start3A_491, %get3A_490, %dma_start3A_492] : memref<64x1024x768xf32, #tpu.memory_space<any>> -> memref<64x1x768xf32, #tpu.memory_space<any>>
        %dma_start3A_494 = tpu.memref_squeeze %dma_start3A_493 : memref<64x1x768xf32, #tpu.memory_space<any>> -> memref<64x768xf32, #tpu.memory_space<any>>
        tpu.enqueue_dma source(%dma_start3A_494 : memref<64x768xf32, #tpu.memory_space<any>>) target(%arg8 : memref<64x768xf32, #tpu.memory_space<vmem>>) target_semaphore(%arg24 : memref<!tpu.dma_semaphore, #tpu.memory_space<semaphore_mem>>)
      } else {
      }
      %mul3A_359 = arith.constant 16 : i32
      %mul3A_360 = arith.muli %mul3A_359, %scan3A_153 : i32
      %add3A_361 = arith.constant 10 : i32
      %add3A_362 = arith.addi %mul3A_360, %add3A_361 : i32
      %get3A_363 = arith.index_cast %add3A_362 : i32 to index
      %get3A_364 = memref.load %arg0[%get3A_363] : memref<256xi32, #tpu.memory_space<smem>>
      %dma_wait3A_365 = arith.constant 0 : i32
      %dma_wait3A_366 = arith.constant 0 : i32
      %dma_wait3A_367 = tpu.memref_slice %arg1[%dma_wait3A_365, %get3A_364, %dma_wait3A_366] : memref<64x1024x768xf32, #tpu.memory_space<any>> -> memref<64x1x768xf32, #tpu.memory_space<any>>
      %dma_wait3A_368 = tpu.memref_squeeze %dma_wait3A_367 : memref<64x1x768xf32, #tpu.memory_space<any>> -> memref<64x768xf32, #tpu.memory_space<any>>
      tpu.wait_dma2 semaphore(%arg29 : memref<!tpu.dma_semaphore, #tpu.memory_space<semaphore_mem>>) src(%dma_wait3A_368 : memref<64x768xf32, #tpu.memory_space<any>>) dst(%arg13 : memref<64x768xf32, #tpu.memory_space<vmem>>)
      %dma_start3A_369 = arith.constant 0 : i32
      %dma_start3A_370 = arith.constant 0 : i32
      %dma_start3A_371 = tpu.memref_slice %arg2[%dma_start3A_369, %add3A_362, %dma_start3A_370] : memref<64x256x768xf32, #tpu.memory_space<any>> -> memref<64x1x768xf32, #tpu.memory_space<any>>
      %dma_start3A_372 = tpu.memref_squeeze %dma_start3A_371 : memref<64x1x768xf32, #tpu.memory_space<any>> -> memref<64x768xf32, #tpu.memory_space<any>>
      tpu.enqueue_dma source(%arg13 : memref<64x768xf32, #tpu.memory_space<vmem>>) target(%dma_start3A_372 : memref<64x768xf32, #tpu.memory_space<any>>) target_semaphore(%arg45 : memref<!tpu.dma_semaphore, #tpu.memory_space<semaphore_mem>>)
      %add3A_373 = arith.constant 12 : i32
      %add3A_374 = arith.addi %add3A_362, %add3A_373 : i32
      %lt3A_375 = arith.constant 256 : i32
      %lt3A_376 = arith.cmpi slt, %add3A_374, %lt3A_375 : i32
      %convert_element_type3A_377 = arith.extui %lt3A_376 : i1 to i32
      %cond3A_378 = arith.constant 0 : i32
      %cond3A_379 = arith.cmpi ne, %convert_element_type3A_377, %cond3A_378 : i32
      scf.if %cond3A_379 {
        %ge3A = arith.constant 16 : i32
        %ge3A_485 = arith.cmpi sge, %add3A_374, %ge3A : i32
        %convert_element_type3A_486 = arith.extui %ge3A_485 : i1 to i32
        %cond3A_487 = arith.constant 0 : i32
        %cond3A_488 = arith.cmpi ne, %convert_element_type3A_486, %cond3A_487 : i32
        scf.if %cond3A_488 {
          %sub3A = arith.constant 16 : i32
          %sub3A_495 = arith.subi %add3A_374, %sub3A : i32
          %dma_wait3A_496 = arith.constant 0 : i32
          %dma_wait3A_497 = arith.constant 0 : i32
          %dma_wait3A_498 = tpu.memref_slice %arg2[%dma_wait3A_496, %sub3A_495, %dma_wait3A_497] : memref<64x256x768xf32, #tpu.memory_space<any>> -> memref<64x1x768xf32, #tpu.memory_space<any>>
          %dma_wait3A_499 = tpu.memref_squeeze %dma_wait3A_498 : memref<64x1x768xf32, #tpu.memory_space<any>> -> memref<64x768xf32, #tpu.memory_space<any>>
          tpu.wait_dma2 semaphore(%arg41 : memref<!tpu.dma_semaphore, #tpu.memory_space<semaphore_mem>>) src(%arg9 : memref<64x768xf32, #tpu.memory_space<vmem>>) dst(%dma_wait3A_499 : memref<64x768xf32, #tpu.memory_space<any>>)
        } else {
        }
        %get3A_489 = arith.index_cast %add3A_374 : i32 to index
        %get3A_490 = memref.load %arg0[%get3A_489] : memref<256xi32, #tpu.memory_space<smem>>
        %dma_start3A_491 = arith.constant 0 : i32
        %dma_start3A_492 = arith.constant 0 : i32
        %dma_start3A_493 = tpu.memref_slice %arg1[%dma_start3A_491, %get3A_490, %dma_start3A_492] : memref<64x1024x768xf32, #tpu.memory_space<any>> -> memref<64x1x768xf32, #tpu.memory_space<any>>
        %dma_start3A_494 = tpu.memref_squeeze %dma_start3A_493 : memref<64x1x768xf32, #tpu.memory_space<any>> -> memref<64x768xf32, #tpu.memory_space<any>>
        tpu.enqueue_dma source(%dma_start3A_494 : memref<64x768xf32, #tpu.memory_space<any>>) target(%arg9 : memref<64x768xf32, #tpu.memory_space<vmem>>) target_semaphore(%arg25 : memref<!tpu.dma_semaphore, #tpu.memory_space<semaphore_mem>>)
      } else {
      }
      %mul3A_380 = arith.constant 16 : i32
      %mul3A_381 = arith.muli %mul3A_380, %scan3A_153 : i32
      %add3A_382 = arith.constant 11 : i32
      %add3A_383 = arith.addi %mul3A_381, %add3A_382 : i32
      %get3A_384 = arith.index_cast %add3A_383 : i32 to index
      %get3A_385 = memref.load %arg0[%get3A_384] : memref<256xi32, #tpu.memory_space<smem>>
      %dma_wait3A_386 = arith.constant 0 : i32
      %dma_wait3A_387 = arith.constant 0 : i32
      %dma_wait3A_388 = tpu.memref_slice %arg1[%dma_wait3A_386, %get3A_385, %dma_wait3A_387] : memref<64x1024x768xf32, #tpu.memory_space<any>> -> memref<64x1x768xf32, #tpu.memory_space<any>>
      %dma_wait3A_389 = tpu.memref_squeeze %dma_wait3A_388 : memref<64x1x768xf32, #tpu.memory_space<any>> -> memref<64x768xf32, #tpu.memory_space<any>>
      tpu.wait_dma2 semaphore(%arg30 : memref<!tpu.dma_semaphore, #tpu.memory_space<semaphore_mem>>) src(%dma_wait3A_389 : memref<64x768xf32, #tpu.memory_space<any>>) dst(%arg14 : memref<64x768xf32, #tpu.memory_space<vmem>>)
      %dma_start3A_390 = arith.constant 0 : i32
      %dma_start3A_391 = arith.constant 0 : i32
      %dma_start3A_392 = tpu.memref_slice %arg2[%dma_start3A_390, %add3A_383, %dma_start3A_391] : memref<64x256x768xf32, #tpu.memory_space<any>> -> memref<64x1x768xf32, #tpu.memory_space<any>>
      %dma_start3A_393 = tpu.memref_squeeze %dma_start3A_392 : memref<64x1x768xf32, #tpu.memory_space<any>> -> memref<64x768xf32, #tpu.memory_space<any>>
      tpu.enqueue_dma source(%arg14 : memref<64x768xf32, #tpu.memory_space<vmem>>) target(%dma_start3A_393 : memref<64x768xf32, #tpu.memory_space<any>>) target_semaphore(%arg46 : memref<!tpu.dma_semaphore, #tpu.memory_space<semaphore_mem>>)
      %add3A_394 = arith.constant 12 : i32
      %add3A_395 = arith.addi %add3A_383, %add3A_394 : i32
      %lt3A_396 = arith.constant 256 : i32
      %lt3A_397 = arith.cmpi slt, %add3A_395, %lt3A_396 : i32
      %convert_element_type3A_398 = arith.extui %lt3A_397 : i1 to i32
      %cond3A_399 = arith.constant 0 : i32
      %cond3A_400 = arith.cmpi ne, %convert_element_type3A_398, %cond3A_399 : i32
      scf.if %cond3A_400 {
        %ge3A = arith.constant 16 : i32
        %ge3A_485 = arith.cmpi sge, %add3A_395, %ge3A : i32
        %convert_element_type3A_486 = arith.extui %ge3A_485 : i1 to i32
        %cond3A_487 = arith.constant 0 : i32
        %cond3A_488 = arith.cmpi ne, %convert_element_type3A_486, %cond3A_487 : i32
        scf.if %cond3A_488 {
          %sub3A = arith.constant 16 : i32
          %sub3A_495 = arith.subi %add3A_395, %sub3A : i32
          %dma_wait3A_496 = arith.constant 0 : i32
          %dma_wait3A_497 = arith.constant 0 : i32
          %dma_wait3A_498 = tpu.memref_slice %arg2[%dma_wait3A_496, %sub3A_495, %dma_wait3A_497] : memref<64x256x768xf32, #tpu.memory_space<any>> -> memref<64x1x768xf32, #tpu.memory_space<any>>
          %dma_wait3A_499 = tpu.memref_squeeze %dma_wait3A_498 : memref<64x1x768xf32, #tpu.memory_space<any>> -> memref<64x768xf32, #tpu.memory_space<any>>
          tpu.wait_dma2 semaphore(%arg42 : memref<!tpu.dma_semaphore, #tpu.memory_space<semaphore_mem>>) src(%arg10 : memref<64x768xf32, #tpu.memory_space<vmem>>) dst(%dma_wait3A_499 : memref<64x768xf32, #tpu.memory_space<any>>)
        } else {
        }
        %get3A_489 = arith.index_cast %add3A_395 : i32 to index
        %get3A_490 = memref.load %arg0[%get3A_489] : memref<256xi32, #tpu.memory_space<smem>>
        %dma_start3A_491 = arith.constant 0 : i32
        %dma_start3A_492 = arith.constant 0 : i32
        %dma_start3A_493 = tpu.memref_slice %arg1[%dma_start3A_491, %get3A_490, %dma_start3A_492] : memref<64x1024x768xf32, #tpu.memory_space<any>> -> memref<64x1x768xf32, #tpu.memory_space<any>>
        %dma_start3A_494 = tpu.memref_squeeze %dma_start3A_493 : memref<64x1x768xf32, #tpu.memory_space<any>> -> memref<64x768xf32, #tpu.memory_space<any>>
        tpu.enqueue_dma source(%dma_start3A_494 : memref<64x768xf32, #tpu.memory_space<any>>) target(%arg10 : memref<64x768xf32, #tpu.memory_space<vmem>>) target_semaphore(%arg26 : memref<!tpu.dma_semaphore, #tpu.memory_space<semaphore_mem>>)
      } else {
      }
      %mul3A_401 = arith.constant 16 : i32
      %mul3A_402 = arith.muli %mul3A_401, %scan3A_153 : i32
      %add3A_403 = arith.constant 12 : i32
      %add3A_404 = arith.addi %mul3A_402, %add3A_403 : i32
      %get3A_405 = arith.index_cast %add3A_404 : i32 to index
      %get3A_406 = memref.load %arg0[%get3A_405] : memref<256xi32, #tpu.memory_space<smem>>
      %dma_wait3A_407 = arith.constant 0 : i32
      %dma_wait3A_408 = arith.constant 0 : i32
      %dma_wait3A_409 = tpu.memref_slice %arg1[%dma_wait3A_407, %get3A_406, %dma_wait3A_408] : memref<64x1024x768xf32, #tpu.memory_space<any>> -> memref<64x1x768xf32, #tpu.memory_space<any>>
      %dma_wait3A_410 = tpu.memref_squeeze %dma_wait3A_409 : memref<64x1x768xf32, #tpu.memory_space<any>> -> memref<64x768xf32, #tpu.memory_space<any>>
      tpu.wait_dma2 semaphore(%arg31 : memref<!tpu.dma_semaphore, #tpu.memory_space<semaphore_mem>>) src(%dma_wait3A_410 : memref<64x768xf32, #tpu.memory_space<any>>) dst(%arg15 : memref<64x768xf32, #tpu.memory_space<vmem>>)
      %dma_start3A_411 = arith.constant 0 : i32
      %dma_start3A_412 = arith.constant 0 : i32
      %dma_start3A_413 = tpu.memref_slice %arg2[%dma_start3A_411, %add3A_404, %dma_start3A_412] : memref<64x256x768xf32, #tpu.memory_space<any>> -> memref<64x1x768xf32, #tpu.memory_space<any>>
      %dma_start3A_414 = tpu.memref_squeeze %dma_start3A_413 : memref<64x1x768xf32, #tpu.memory_space<any>> -> memref<64x768xf32, #tpu.memory_space<any>>
      tpu.enqueue_dma source(%arg15 : memref<64x768xf32, #tpu.memory_space<vmem>>) target(%dma_start3A_414 : memref<64x768xf32, #tpu.memory_space<any>>) target_semaphore(%arg47 : memref<!tpu.dma_semaphore, #tpu.memory_space<semaphore_mem>>)
      %add3A_415 = arith.constant 12 : i32
      %add3A_416 = arith.addi %add3A_404, %add3A_415 : i32
      %lt3A_417 = arith.constant 256 : i32
      %lt3A_418 = arith.cmpi slt, %add3A_416, %lt3A_417 : i32
      %convert_element_type3A_419 = arith.extui %lt3A_418 : i1 to i32
      %cond3A_420 = arith.constant 0 : i32
      %cond3A_421 = arith.cmpi ne, %convert_element_type3A_419, %cond3A_420 : i32
      scf.if %cond3A_421 {
        %ge3A = arith.constant 16 : i32
        %ge3A_485 = arith.cmpi sge, %add3A_416, %ge3A : i32
        %convert_element_type3A_486 = arith.extui %ge3A_485 : i1 to i32
        %cond3A_487 = arith.constant 0 : i32
        %cond3A_488 = arith.cmpi ne, %convert_element_type3A_486, %cond3A_487 : i32
        scf.if %cond3A_488 {
          %sub3A = arith.constant 16 : i32
          %sub3A_495 = arith.subi %add3A_416, %sub3A : i32
          %dma_wait3A_496 = arith.constant 0 : i32
          %dma_wait3A_497 = arith.constant 0 : i32
          %dma_wait3A_498 = tpu.memref_slice %arg2[%dma_wait3A_496, %sub3A_495, %dma_wait3A_497] : memref<64x256x768xf32, #tpu.memory_space<any>> -> memref<64x1x768xf32, #tpu.memory_space<any>>
          %dma_wait3A_499 = tpu.memref_squeeze %dma_wait3A_498 : memref<64x1x768xf32, #tpu.memory_space<any>> -> memref<64x768xf32, #tpu.memory_space<any>>
          tpu.wait_dma2 semaphore(%arg43 : memref<!tpu.dma_semaphore, #tpu.memory_space<semaphore_mem>>) src(%arg11 : memref<64x768xf32, #tpu.memory_space<vmem>>) dst(%dma_wait3A_499 : memref<64x768xf32, #tpu.memory_space<any>>)
        } else {
        }
        %get3A_489 = arith.index_cast %add3A_416 : i32 to index
        %get3A_490 = memref.load %arg0[%get3A_489] : memref<256xi32, #tpu.memory_space<smem>>
        %dma_start3A_491 = arith.constant 0 : i32
        %dma_start3A_492 = arith.constant 0 : i32
        %dma_start3A_493 = tpu.memref_slice %arg1[%dma_start3A_491, %get3A_490, %dma_start3A_492] : memref<64x1024x768xf32, #tpu.memory_space<any>> -> memref<64x1x768xf32, #tpu.memory_space<any>>
        %dma_start3A_494 = tpu.memref_squeeze %dma_start3A_493 : memref<64x1x768xf32, #tpu.memory_space<any>> -> memref<64x768xf32, #tpu.memory_space<any>>
        tpu.enqueue_dma source(%dma_start3A_494 : memref<64x768xf32, #tpu.memory_space<any>>) target(%arg11 : memref<64x768xf32, #tpu.memory_space<vmem>>) target_semaphore(%arg27 : memref<!tpu.dma_semaphore, #tpu.memory_space<semaphore_mem>>)
      } else {
      }
      %mul3A_422 = arith.constant 16 : i32
      %mul3A_423 = arith.muli %mul3A_422, %scan3A_153 : i32
      %add3A_424 = arith.constant 13 : i32
      %add3A_425 = arith.addi %mul3A_423, %add3A_424 : i32
      %get3A_426 = arith.index_cast %add3A_425 : i32 to index
      %get3A_427 = memref.load %arg0[%get3A_426] : memref<256xi32, #tpu.memory_space<smem>>
      %dma_wait3A_428 = arith.constant 0 : i32
      %dma_wait3A_429 = arith.constant 0 : i32
      %dma_wait3A_430 = tpu.memref_slice %arg1[%dma_wait3A_428, %get3A_427, %dma_wait3A_429] : memref<64x1024x768xf32, #tpu.memory_space<any>> -> memref<64x1x768xf32, #tpu.memory_space<any>>
      %dma_wait3A_431 = tpu.memref_squeeze %dma_wait3A_430 : memref<64x1x768xf32, #tpu.memory_space<any>> -> memref<64x768xf32, #tpu.memory_space<any>>
      tpu.wait_dma2 semaphore(%arg32 : memref<!tpu.dma_semaphore, #tpu.memory_space<semaphore_mem>>) src(%dma_wait3A_431 : memref<64x768xf32, #tpu.memory_space<any>>) dst(%arg16 : memref<64x768xf32, #tpu.memory_space<vmem>>)
      %dma_start3A_432 = arith.constant 0 : i32
      %dma_start3A_433 = arith.constant 0 : i32
      %dma_start3A_434 = tpu.memref_slice %arg2[%dma_start3A_432, %add3A_425, %dma_start3A_433] : memref<64x256x768xf32, #tpu.memory_space<any>> -> memref<64x1x768xf32, #tpu.memory_space<any>>
      %dma_start3A_435 = tpu.memref_squeeze %dma_start3A_434 : memref<64x1x768xf32, #tpu.memory_space<any>> -> memref<64x768xf32, #tpu.memory_space<any>>
      tpu.enqueue_dma source(%arg16 : memref<64x768xf32, #tpu.memory_space<vmem>>) target(%dma_start3A_435 : memref<64x768xf32, #tpu.memory_space<any>>) target_semaphore(%arg48 : memref<!tpu.dma_semaphore, #tpu.memory_space<semaphore_mem>>)
      %add3A_436 = arith.constant 12 : i32
      %add3A_437 = arith.addi %add3A_425, %add3A_436 : i32
      %lt3A_438 = arith.constant 256 : i32
      %lt3A_439 = arith.cmpi slt, %add3A_437, %lt3A_438 : i32
      %convert_element_type3A_440 = arith.extui %lt3A_439 : i1 to i32
      %cond3A_441 = arith.constant 0 : i32
      %cond3A_442 = arith.cmpi ne, %convert_element_type3A_440, %cond3A_441 : i32
      scf.if %cond3A_442 {
        %ge3A = arith.constant 16 : i32
        %ge3A_485 = arith.cmpi sge, %add3A_437, %ge3A : i32
        %convert_element_type3A_486 = arith.extui %ge3A_485 : i1 to i32
        %cond3A_487 = arith.constant 0 : i32
        %cond3A_488 = arith.cmpi ne, %convert_element_type3A_486, %cond3A_487 : i32
        scf.if %cond3A_488 {
          %sub3A = arith.constant 16 : i32
          %sub3A_495 = arith.subi %add3A_437, %sub3A : i32
          %dma_wait3A_496 = arith.constant 0 : i32
          %dma_wait3A_497 = arith.constant 0 : i32
          %dma_wait3A_498 = tpu.memref_slice %arg2[%dma_wait3A_496, %sub3A_495, %dma_wait3A_497] : memref<64x256x768xf32, #tpu.memory_space<any>> -> memref<64x1x768xf32, #tpu.memory_space<any>>
          %dma_wait3A_499 = tpu.memref_squeeze %dma_wait3A_498 : memref<64x1x768xf32, #tpu.memory_space<any>> -> memref<64x768xf32, #tpu.memory_space<any>>
          tpu.wait_dma2 semaphore(%arg44 : memref<!tpu.dma_semaphore, #tpu.memory_space<semaphore_mem>>) src(%arg12 : memref<64x768xf32, #tpu.memory_space<vmem>>) dst(%dma_wait3A_499 : memref<64x768xf32, #tpu.memory_space<any>>)
        } else {
        }
        %get3A_489 = arith.index_cast %add3A_437 : i32 to index
        %get3A_490 = memref.load %arg0[%get3A_489] : memref<256xi32, #tpu.memory_space<smem>>
        %dma_start3A_491 = arith.constant 0 : i32
        %dma_start3A_492 = arith.constant 0 : i32
        %dma_start3A_493 = tpu.memref_slice %arg1[%dma_start3A_491, %get3A_490, %dma_start3A_492] : memref<64x1024x768xf32, #tpu.memory_space<any>> -> memref<64x1x768xf32, #tpu.memory_space<any>>
        %dma_start3A_494 = tpu.memref_squeeze %dma_start3A_493 : memref<64x1x768xf32, #tpu.memory_space<any>> -> memref<64x768xf32, #tpu.memory_space<any>>
        tpu.enqueue_dma source(%dma_start3A_494 : memref<64x768xf32, #tpu.memory_space<any>>) target(%arg12 : memref<64x768xf32, #tpu.memory_space<vmem>>) target_semaphore(%arg28 : memref<!tpu.dma_semaphore, #tpu.memory_space<semaphore_mem>>)
      } else {
      }
      %mul3A_443 = arith.constant 16 : i32
      %mul3A_444 = arith.muli %mul3A_443, %scan3A_153 : i32
      %add3A_445 = arith.constant 14 : i32
      %add3A_446 = arith.addi %mul3A_444, %add3A_445 : i32
      %get3A_447 = arith.index_cast %add3A_446 : i32 to index
      %get3A_448 = memref.load %arg0[%get3A_447] : memref<256xi32, #tpu.memory_space<smem>>
      %dma_wait3A_449 = arith.constant 0 : i32
      %dma_wait3A_450 = arith.constant 0 : i32
      %dma_wait3A_451 = tpu.memref_slice %arg1[%dma_wait3A_449, %get3A_448, %dma_wait3A_450] : memref<64x1024x768xf32, #tpu.memory_space<any>> -> memref<64x1x768xf32, #tpu.memory_space<any>>
      %dma_wait3A_452 = tpu.memref_squeeze %dma_wait3A_451 : memref<64x1x768xf32, #tpu.memory_space<any>> -> memref<64x768xf32, #tpu.memory_space<any>>
      tpu.wait_dma2 semaphore(%arg33 : memref<!tpu.dma_semaphore, #tpu.memory_space<semaphore_mem>>) src(%dma_wait3A_452 : memref<64x768xf32, #tpu.memory_space<any>>) dst(%arg17 : memref<64x768xf32, #tpu.memory_space<vmem>>)
      %dma_start3A_453 = arith.constant 0 : i32
      %dma_start3A_454 = arith.constant 0 : i32
      %dma_start3A_455 = tpu.memref_slice %arg2[%dma_start3A_453, %add3A_446, %dma_start3A_454] : memref<64x256x768xf32, #tpu.memory_space<any>> -> memref<64x1x768xf32, #tpu.memory_space<any>>
      %dma_start3A_456 = tpu.memref_squeeze %dma_start3A_455 : memref<64x1x768xf32, #tpu.memory_space<any>> -> memref<64x768xf32, #tpu.memory_space<any>>
      tpu.enqueue_dma source(%arg17 : memref<64x768xf32, #tpu.memory_space<vmem>>) target(%dma_start3A_456 : memref<64x768xf32, #tpu.memory_space<any>>) target_semaphore(%arg49 : memref<!tpu.dma_semaphore, #tpu.memory_space<semaphore_mem>>)
      %add3A_457 = arith.constant 12 : i32
      %add3A_458 = arith.addi %add3A_446, %add3A_457 : i32
      %lt3A_459 = arith.constant 256 : i32
      %lt3A_460 = arith.cmpi slt, %add3A_458, %lt3A_459 : i32
      %convert_element_type3A_461 = arith.extui %lt3A_460 : i1 to i32
      %cond3A_462 = arith.constant 0 : i32
      %cond3A_463 = arith.cmpi ne, %convert_element_type3A_461, %cond3A_462 : i32
      scf.if %cond3A_463 {
        %ge3A = arith.constant 16 : i32
        %ge3A_485 = arith.cmpi sge, %add3A_458, %ge3A : i32
        %convert_element_type3A_486 = arith.extui %ge3A_485 : i1 to i32
        %cond3A_487 = arith.constant 0 : i32
        %cond3A_488 = arith.cmpi ne, %convert_element_type3A_486, %cond3A_487 : i32
        scf.if %cond3A_488 {
          %sub3A = arith.constant 16 : i32
          %sub3A_495 = arith.subi %add3A_458, %sub3A : i32
          %dma_wait3A_496 = arith.constant 0 : i32
          %dma_wait3A_497 = arith.constant 0 : i32
          %dma_wait3A_498 = tpu.memref_slice %arg2[%dma_wait3A_496, %sub3A_495, %dma_wait3A_497] : memref<64x256x768xf32, #tpu.memory_space<any>> -> memref<64x1x768xf32, #tpu.memory_space<any>>
          %dma_wait3A_499 = tpu.memref_squeeze %dma_wait3A_498 : memref<64x1x768xf32, #tpu.memory_space<any>> -> memref<64x768xf32, #tpu.memory_space<any>>
          tpu.wait_dma2 semaphore(%arg45 : memref<!tpu.dma_semaphore, #tpu.memory_space<semaphore_mem>>) src(%arg13 : memref<64x768xf32, #tpu.memory_space<vmem>>) dst(%dma_wait3A_499 : memref<64x768xf32, #tpu.memory_space<any>>)
        } else {
        }
        %get3A_489 = arith.index_cast %add3A_458 : i32 to index
        %get3A_490 = memref.load %arg0[%get3A_489] : memref<256xi32, #tpu.memory_space<smem>>
        %dma_start3A_491 = arith.constant 0 : i32
        %dma_start3A_492 = arith.constant 0 : i32
        %dma_start3A_493 = tpu.memref_slice %arg1[%dma_start3A_491, %get3A_490, %dma_start3A_492] : memref<64x1024x768xf32, #tpu.memory_space<any>> -> memref<64x1x768xf32, #tpu.memory_space<any>>
        %dma_start3A_494 = tpu.memref_squeeze %dma_start3A_493 : memref<64x1x768xf32, #tpu.memory_space<any>> -> memref<64x768xf32, #tpu.memory_space<any>>
        tpu.enqueue_dma source(%dma_start3A_494 : memref<64x768xf32, #tpu.memory_space<any>>) target(%arg13 : memref<64x768xf32, #tpu.memory_space<vmem>>) target_semaphore(%arg29 : memref<!tpu.dma_semaphore, #tpu.memory_space<semaphore_mem>>)
      } else {
      }
      %mul3A_464 = arith.constant 16 : i32
      %mul3A_465 = arith.muli %mul3A_464, %scan3A_153 : i32
      %add3A_466 = arith.constant 15 : i32
      %add3A_467 = arith.addi %mul3A_465, %add3A_466 : i32
      %get3A_468 = arith.index_cast %add3A_467 : i32 to index
      %get3A_469 = memref.load %arg0[%get3A_468] : memref<256xi32, #tpu.memory_space<smem>>
      %dma_wait3A_470 = arith.constant 0 : i32
      %dma_wait3A_471 = arith.constant 0 : i32
      %dma_wait3A_472 = tpu.memref_slice %arg1[%dma_wait3A_470, %get3A_469, %dma_wait3A_471] : memref<64x1024x768xf32, #tpu.memory_space<any>> -> memref<64x1x768xf32, #tpu.memory_space<any>>
      %dma_wait3A_473 = tpu.memref_squeeze %dma_wait3A_472 : memref<64x1x768xf32, #tpu.memory_space<any>> -> memref<64x768xf32, #tpu.memory_space<any>>
      tpu.wait_dma2 semaphore(%arg34 : memref<!tpu.dma_semaphore, #tpu.memory_space<semaphore_mem>>) src(%dma_wait3A_473 : memref<64x768xf32, #tpu.memory_space<any>>) dst(%arg18 : memref<64x768xf32, #tpu.memory_space<vmem>>)
      %dma_start3A_474 = arith.constant 0 : i32
      %dma_start3A_475 = arith.constant 0 : i32
      %dma_start3A_476 = tpu.memref_slice %arg2[%dma_start3A_474, %add3A_467, %dma_start3A_475] : memref<64x256x768xf32, #tpu.memory_space<any>> -> memref<64x1x768xf32, #tpu.memory_space<any>>
      %dma_start3A_477 = tpu.memref_squeeze %dma_start3A_476 : memref<64x1x768xf32, #tpu.memory_space<any>> -> memref<64x768xf32, #tpu.memory_space<any>>
      tpu.enqueue_dma source(%arg18 : memref<64x768xf32, #tpu.memory_space<vmem>>) target(%dma_start3A_477 : memref<64x768xf32, #tpu.memory_space<any>>) target_semaphore(%arg50 : memref<!tpu.dma_semaphore, #tpu.memory_space<semaphore_mem>>)
      %add3A_478 = arith.constant 12 : i32
      %add3A_479 = arith.addi %add3A_467, %add3A_478 : i32
      %lt3A_480 = arith.constant 256 : i32
      %lt3A_481 = arith.cmpi slt, %add3A_479, %lt3A_480 : i32
      %convert_element_type3A_482 = arith.extui %lt3A_481 : i1 to i32
      %cond3A_483 = arith.constant 0 : i32
      %cond3A_484 = arith.cmpi ne, %convert_element_type3A_482, %cond3A_483 : i32
      scf.if %cond3A_484 {
        %ge3A = arith.constant 16 : i32
        %ge3A_485 = arith.cmpi sge, %add3A_479, %ge3A : i32
        %convert_element_type3A_486 = arith.extui %ge3A_485 : i1 to i32
        %cond3A_487 = arith.constant 0 : i32
        %cond3A_488 = arith.cmpi ne, %convert_element_type3A_486, %cond3A_487 : i32
        scf.if %cond3A_488 {
          %sub3A = arith.constant 16 : i32
          %sub3A_495 = arith.subi %add3A_479, %sub3A : i32
          %dma_wait3A_496 = arith.constant 0 : i32
          %dma_wait3A_497 = arith.constant 0 : i32
          %dma_wait3A_498 = tpu.memref_slice %arg2[%dma_wait3A_496, %sub3A_495, %dma_wait3A_497] : memref<64x256x768xf32, #tpu.memory_space<any>> -> memref<64x1x768xf32, #tpu.memory_space<any>>
          %dma_wait3A_499 = tpu.memref_squeeze %dma_wait3A_498 : memref<64x1x768xf32, #tpu.memory_space<any>> -> memref<64x768xf32, #tpu.memory_space<any>>
          tpu.wait_dma2 semaphore(%arg46 : memref<!tpu.dma_semaphore, #tpu.memory_space<semaphore_mem>>) src(%arg14 : memref<64x768xf32, #tpu.memory_space<vmem>>) dst(%dma_wait3A_499 : memref<64x768xf32, #tpu.memory_space<any>>)
        } else {
        }
        %get3A_489 = arith.index_cast %add3A_479 : i32 to index
        %get3A_490 = memref.load %arg0[%get3A_489] : memref<256xi32, #tpu.memory_space<smem>>
        %dma_start3A_491 = arith.constant 0 : i32
        %dma_start3A_492 = arith.constant 0 : i32
        %dma_start3A_493 = tpu.memref_slice %arg1[%dma_start3A_491, %get3A_490, %dma_start3A_492] : memref<64x1024x768xf32, #tpu.memory_space<any>> -> memref<64x1x768xf32, #tpu.memory_space<any>>
        %dma_start3A_494 = tpu.memref_squeeze %dma_start3A_493 : memref<64x1x768xf32, #tpu.memory_space<any>> -> memref<64x768xf32, #tpu.memory_space<any>>
        tpu.enqueue_dma source(%dma_start3A_494 : memref<64x768xf32, #tpu.memory_space<any>>) target(%arg14 : memref<64x768xf32, #tpu.memory_space<vmem>>) target_semaphore(%arg30 : memref<!tpu.dma_semaphore, #tpu.memory_space<semaphore_mem>>)
      } else {
      }
    }
    %scan3A_73 = arith.constant 16 : i32
    %dma_wait3A = arith.constant 240 : i32
    %dma_wait3A_74 = arith.constant 0 : i32
    %dma_wait3A_75 = arith.constant 0 : i32
    %dma_wait3A_76 = tpu.memref_slice %arg2[%dma_wait3A_74, %dma_wait3A, %dma_wait3A_75] : memref<64x256x768xf32, #tpu.memory_space<any>> -> memref<64x1x768xf32, #tpu.memory_space<any>>
    %dma_wait3A_77 = tpu.memref_squeeze %dma_wait3A_76 : memref<64x1x768xf32, #tpu.memory_space<any>> -> memref<64x768xf32, #tpu.memory_space<any>>
    tpu.wait_dma2 semaphore(%arg35 : memref<!tpu.dma_semaphore, #tpu.memory_space<semaphore_mem>>) src(%arg3 : memref<64x768xf32, #tpu.memory_space<vmem>>) dst(%dma_wait3A_77 : memref<64x768xf32, #tpu.memory_space<any>>)
    %dma_wait3A_78 = arith.constant 241 : i32
    %dma_wait3A_79 = arith.constant 0 : i32
    %dma_wait3A_80 = arith.constant 0 : i32
    %dma_wait3A_81 = tpu.memref_slice %arg2[%dma_wait3A_79, %dma_wait3A_78, %dma_wait3A_80] : memref<64x256x768xf32, #tpu.memory_space<any>> -> memref<64x1x768xf32, #tpu.memory_space<any>>
    %dma_wait3A_82 = tpu.memref_squeeze %dma_wait3A_81 : memref<64x1x768xf32, #tpu.memory_space<any>> -> memref<64x768xf32, #tpu.memory_space<any>>
    tpu.wait_dma2 semaphore(%arg36 : memref<!tpu.dma_semaphore, #tpu.memory_space<semaphore_mem>>) src(%arg4 : memref<64x768xf32, #tpu.memory_space<vmem>>) dst(%dma_wait3A_82 : memref<64x768xf32, #tpu.memory_space<any>>)
    %dma_wait3A_83 = arith.constant 242 : i32
    %dma_wait3A_84 = arith.constant 0 : i32
    %dma_wait3A_85 = arith.constant 0 : i32
    %dma_wait3A_86 = tpu.memref_slice %arg2[%dma_wait3A_84, %dma_wait3A_83, %dma_wait3A_85] : memref<64x256x768xf32, #tpu.memory_space<any>> -> memref<64x1x768xf32, #tpu.memory_space<any>>
    %dma_wait3A_87 = tpu.memref_squeeze %dma_wait3A_86 : memref<64x1x768xf32, #tpu.memory_space<any>> -> memref<64x768xf32, #tpu.memory_space<any>>
    tpu.wait_dma2 semaphore(%arg37 : memref<!tpu.dma_semaphore, #tpu.memory_space<semaphore_mem>>) src(%arg5 : memref<64x768xf32, #tpu.memory_space<vmem>>) dst(%dma_wait3A_87 : memref<64x768xf32, #tpu.memory_space<any>>)
    %dma_wait3A_88 = arith.constant 243 : i32
    %dma_wait3A_89 = arith.constant 0 : i32
    %dma_wait3A_90 = arith.constant 0 : i32
    %dma_wait3A_91 = tpu.memref_slice %arg2[%dma_wait3A_89, %dma_wait3A_88, %dma_wait3A_90] : memref<64x256x768xf32, #tpu.memory_space<any>> -> memref<64x1x768xf32, #tpu.memory_space<any>>
    %dma_wait3A_92 = tpu.memref_squeeze %dma_wait3A_91 : memref<64x1x768xf32, #tpu.memory_space<any>> -> memref<64x768xf32, #tpu.memory_space<any>>
    tpu.wait_dma2 semaphore(%arg38 : memref<!tpu.dma_semaphore, #tpu.memory_space<semaphore_mem>>) src(%arg6 : memref<64x768xf32, #tpu.memory_space<vmem>>) dst(%dma_wait3A_92 : memref<64x768xf32, #tpu.memory_space<any>>)
    %dma_wait3A_93 = arith.constant 244 : i32
    %dma_wait3A_94 = arith.constant 0 : i32
    %dma_wait3A_95 = arith.constant 0 : i32
    %dma_wait3A_96 = tpu.memref_slice %arg2[%dma_wait3A_94, %dma_wait3A_93, %dma_wait3A_95] : memref<64x256x768xf32, #tpu.memory_space<any>> -> memref<64x1x768xf32, #tpu.memory_space<any>>
    %dma_wait3A_97 = tpu.memref_squeeze %dma_wait3A_96 : memref<64x1x768xf32, #tpu.memory_space<any>> -> memref<64x768xf32, #tpu.memory_space<any>>
    tpu.wait_dma2 semaphore(%arg39 : memref<!tpu.dma_semaphore, #tpu.memory_space<semaphore_mem>>) src(%arg7 : memref<64x768xf32, #tpu.memory_space<vmem>>) dst(%dma_wait3A_97 : memref<64x768xf32, #tpu.memory_space<any>>)
    %dma_wait3A_98 = arith.constant 245 : i32
    %dma_wait3A_99 = arith.constant 0 : i32
    %dma_wait3A_100 = arith.constant 0 : i32
    %dma_wait3A_101 = tpu.memref_slice %arg2[%dma_wait3A_99, %dma_wait3A_98, %dma_wait3A_100] : memref<64x256x768xf32, #tpu.memory_space<any>> -> memref<64x1x768xf32, #tpu.memory_space<any>>
    %dma_wait3A_102 = tpu.memref_squeeze %dma_wait3A_101 : memref<64x1x768xf32, #tpu.memory_space<any>> -> memref<64x768xf32, #tpu.memory_space<any>>
    tpu.wait_dma2 semaphore(%arg40 : memref<!tpu.dma_semaphore, #tpu.memory_space<semaphore_mem>>) src(%arg8 : memref<64x768xf32, #tpu.memory_space<vmem>>) dst(%dma_wait3A_102 : memref<64x768xf32, #tpu.memory_space<any>>)
    %dma_wait3A_103 = arith.constant 246 : i32
    %dma_wait3A_104 = arith.constant 0 : i32
    %dma_wait3A_105 = arith.constant 0 : i32
    %dma_wait3A_106 = tpu.memref_slice %arg2[%dma_wait3A_104, %dma_wait3A_103, %dma_wait3A_105] : memref<64x256x768xf32, #tpu.memory_space<any>> -> memref<64x1x768xf32, #tpu.memory_space<any>>
    %dma_wait3A_107 = tpu.memref_squeeze %dma_wait3A_106 : memref<64x1x768xf32, #tpu.memory_space<any>> -> memref<64x768xf32, #tpu.memory_space<any>>
    tpu.wait_dma2 semaphore(%arg41 : memref<!tpu.dma_semaphore, #tpu.memory_space<semaphore_mem>>) src(%arg9 : memref<64x768xf32, #tpu.memory_space<vmem>>) dst(%dma_wait3A_107 : memref<64x768xf32, #tpu.memory_space<any>>)
    %dma_wait3A_108 = arith.constant 247 : i32
    %dma_wait3A_109 = arith.constant 0 : i32
    %dma_wait3A_110 = arith.constant 0 : i32
    %dma_wait3A_111 = tpu.memref_slice %arg2[%dma_wait3A_109, %dma_wait3A_108, %dma_wait3A_110] : memref<64x256x768xf32, #tpu.memory_space<any>> -> memref<64x1x768xf32, #tpu.memory_space<any>>
    %dma_wait3A_112 = tpu.memref_squeeze %dma_wait3A_111 : memref<64x1x768xf32, #tpu.memory_space<any>> -> memref<64x768xf32, #tpu.memory_space<any>>
    tpu.wait_dma2 semaphore(%arg42 : memref<!tpu.dma_semaphore, #tpu.memory_space<semaphore_mem>>) src(%arg10 : memref<64x768xf32, #tpu.memory_space<vmem>>) dst(%dma_wait3A_112 : memref<64x768xf32, #tpu.memory_space<any>>)
    %dma_wait3A_113 = arith.constant 248 : i32
    %dma_wait3A_114 = arith.constant 0 : i32
    %dma_wait3A_115 = arith.constant 0 : i32
    %dma_wait3A_116 = tpu.memref_slice %arg2[%dma_wait3A_114, %dma_wait3A_113, %dma_wait3A_115] : memref<64x256x768xf32, #tpu.memory_space<any>> -> memref<64x1x768xf32, #tpu.memory_space<any>>
    %dma_wait3A_117 = tpu.memref_squeeze %dma_wait3A_116 : memref<64x1x768xf32, #tpu.memory_space<any>> -> memref<64x768xf32, #tpu.memory_space<any>>
    tpu.wait_dma2 semaphore(%arg43 : memref<!tpu.dma_semaphore, #tpu.memory_space<semaphore_mem>>) src(%arg11 : memref<64x768xf32, #tpu.memory_space<vmem>>) dst(%dma_wait3A_117 : memref<64x768xf32, #tpu.memory_space<any>>)
    %dma_wait3A_118 = arith.constant 249 : i32
    %dma_wait3A_119 = arith.constant 0 : i32
    %dma_wait3A_120 = arith.constant 0 : i32
    %dma_wait3A_121 = tpu.memref_slice %arg2[%dma_wait3A_119, %dma_wait3A_118, %dma_wait3A_120] : memref<64x256x768xf32, #tpu.memory_space<any>> -> memref<64x1x768xf32, #tpu.memory_space<any>>
    %dma_wait3A_122 = tpu.memref_squeeze %dma_wait3A_121 : memref<64x1x768xf32, #tpu.memory_space<any>> -> memref<64x768xf32, #tpu.memory_space<any>>
    tpu.wait_dma2 semaphore(%arg44 : memref<!tpu.dma_semaphore, #tpu.memory_space<semaphore_mem>>) src(%arg12 : memref<64x768xf32, #tpu.memory_space<vmem>>) dst(%dma_wait3A_122 : memref<64x768xf32, #tpu.memory_space<any>>)
    %dma_wait3A_123 = arith.constant 250 : i32
    %dma_wait3A_124 = arith.constant 0 : i32
    %dma_wait3A_125 = arith.constant 0 : i32
    %dma_wait3A_126 = tpu.memref_slice %arg2[%dma_wait3A_124, %dma_wait3A_123, %dma_wait3A_125] : memref<64x256x768xf32, #tpu.memory_space<any>> -> memref<64x1x768xf32, #tpu.memory_space<any>>
    %dma_wait3A_127 = tpu.memref_squeeze %dma_wait3A_126 : memref<64x1x768xf32, #tpu.memory_space<any>> -> memref<64x768xf32, #tpu.memory_space<any>>
    tpu.wait_dma2 semaphore(%arg45 : memref<!tpu.dma_semaphore, #tpu.memory_space<semaphore_mem>>) src(%arg13 : memref<64x768xf32, #tpu.memory_space<vmem>>) dst(%dma_wait3A_127 : memref<64x768xf32, #tpu.memory_space<any>>)
    %dma_wait3A_128 = arith.constant 251 : i32
    %dma_wait3A_129 = arith.constant 0 : i32
    %dma_wait3A_130 = arith.constant 0 : i32
    %dma_wait3A_131 = tpu.memref_slice %arg2[%dma_wait3A_129, %dma_wait3A_128, %dma_wait3A_130] : memref<64x256x768xf32, #tpu.memory_space<any>> -> memref<64x1x768xf32, #tpu.memory_space<any>>
    %dma_wait3A_132 = tpu.memref_squeeze %dma_wait3A_131 : memref<64x1x768xf32, #tpu.memory_space<any>> -> memref<64x768xf32, #tpu.memory_space<any>>
    tpu.wait_dma2 semaphore(%arg46 : memref<!tpu.dma_semaphore, #tpu.memory_space<semaphore_mem>>) src(%arg14 : memref<64x768xf32, #tpu.memory_space<vmem>>) dst(%dma_wait3A_132 : memref<64x768xf32, #tpu.memory_space<any>>)
    %dma_wait3A_133 = arith.constant 252 : i32
    %dma_wait3A_134 = arith.constant 0 : i32
    %dma_wait3A_135 = arith.constant 0 : i32
    %dma_wait3A_136 = tpu.memref_slice %arg2[%dma_wait3A_134, %dma_wait3A_133, %dma_wait3A_135] : memref<64x256x768xf32, #tpu.memory_space<any>> -> memref<64x1x768xf32, #tpu.memory_space<any>>
    %dma_wait3A_137 = tpu.memref_squeeze %dma_wait3A_136 : memref<64x1x768xf32, #tpu.memory_space<any>> -> memref<64x768xf32, #tpu.memory_space<any>>
    tpu.wait_dma2 semaphore(%arg47 : memref<!tpu.dma_semaphore, #tpu.memory_space<semaphore_mem>>) src(%arg15 : memref<64x768xf32, #tpu.memory_space<vmem>>) dst(%dma_wait3A_137 : memref<64x768xf32, #tpu.memory_space<any>>)
    %dma_wait3A_138 = arith.constant 253 : i32
    %dma_wait3A_139 = arith.constant 0 : i32
    %dma_wait3A_140 = arith.constant 0 : i32
    %dma_wait3A_141 = tpu.memref_slice %arg2[%dma_wait3A_139, %dma_wait3A_138, %dma_wait3A_140] : memref<64x256x768xf32, #tpu.memory_space<any>> -> memref<64x1x768xf32, #tpu.memory_space<any>>
    %dma_wait3A_142 = tpu.memref_squeeze %dma_wait3A_141 : memref<64x1x768xf32, #tpu.memory_space<any>> -> memref<64x768xf32, #tpu.memory_space<any>>
    tpu.wait_dma2 semaphore(%arg48 : memref<!tpu.dma_semaphore, #tpu.memory_space<semaphore_mem>>) src(%arg16 : memref<64x768xf32, #tpu.memory_space<vmem>>) dst(%dma_wait3A_142 : memref<64x768xf32, #tpu.memory_space<any>>)
    %dma_wait3A_143 = arith.constant 254 : i32
    %dma_wait3A_144 = arith.constant 0 : i32
    %dma_wait3A_145 = arith.constant 0 : i32
    %dma_wait3A_146 = tpu.memref_slice %arg2[%dma_wait3A_144, %dma_wait3A_143, %dma_wait3A_145] : memref<64x256x768xf32, #tpu.memory_space<any>> -> memref<64x1x768xf32, #tpu.memory_space<any>>
    %dma_wait3A_147 = tpu.memref_squeeze %dma_wait3A_146 : memref<64x1x768xf32, #tpu.memory_space<any>> -> memref<64x768xf32, #tpu.memory_space<any>>
    tpu.wait_dma2 semaphore(%arg49 : memref<!tpu.dma_semaphore, #tpu.memory_space<semaphore_mem>>) src(%arg17 : memref<64x768xf32, #tpu.memory_space<vmem>>) dst(%dma_wait3A_147 : memref<64x768xf32, #tpu.memory_space<any>>)
    %dma_wait3A_148 = arith.constant 255 : i32
    %dma_wait3A_149 = arith.constant 0 : i32
    %dma_wait3A_150 = arith.constant 0 : i32
    %dma_wait3A_151 = tpu.memref_slice %arg2[%dma_wait3A_149, %dma_wait3A_148, %dma_wait3A_150] : memref<64x256x768xf32, #tpu.memory_space<any>> -> memref<64x1x768xf32, #tpu.memory_space<any>>
    %dma_wait3A_152 = tpu.memref_squeeze %dma_wait3A_151 : memref<64x1x768xf32, #tpu.memory_space<any>> -> memref<64x768xf32, #tpu.memory_space<any>>
    tpu.wait_dma2 semaphore(%arg50 : memref<!tpu.dma_semaphore, #tpu.memory_space<semaphore_mem>>) src(%arg18 : memref<64x768xf32, #tpu.memory_space<vmem>>) dst(%dma_wait3A_152 : memref<64x768xf32, #tpu.memory_space<any>>)
    return
  }
}

</mosaic_0001>

<sc_bundles>
// kernel: kernel.4.cloned.1.call-start
scs
__scs_entry_jumppad:
0x0: {  	(pc) =	sbr.rel $0x88, $3  }
0x1: {  	(tag) =	ssettag $0x0;
	lr =	simm.s32 $0x1  }
0x2: {  	[smem:$0x3FA0] =	sst lr;
	_ =	strace $0xD0000000  }
0x3: {  	_ = 	snop  }
0x4: {  	_ = 	snop  }
0x5: {  	_ = 	snop  }
0x6: {  	_ = 	snop  }
0x7: {  	_ = 	snop  }
__scs_overlays_trampoline_lowered:
0x8: {  	[smem:$0x3FAF] =	sst s0  }
0x9: {  	[smem:$0x3FB0] =	sst s1  }
0xa: {  	[smem:$0x3FB1] =	sst s2  }
0xb: {  	[smem:$0x3FB2] =	sst s3  }
0xc: {  	[smem:$0x3FB3] =	sst s4  }
0xd: {  	[smem:$0x3FB4] =	sst s5  }
0xe: {  	[smem:$0x3FB5] =	sst s6  }
0xf: {  	[smem:$0x3FB6] =	sst s7  }
0x10: {  	[smem:$0x3FB7] =	sst s8  }
0x11: {  	[smem:$0x3FB8] =	sst s9;
	s0 =	simm.s32 @!p0 $0x0  }
0x12: {  	s1 =	sld [smem:$0x3F9E];
	s0 =	simm.s32 @p0 $0x1  }
0x13: {  	[smem:$0x3FB9] =	sst s0;
	s0 =	simm.s32 @!p1 $0x0  }
0x14: {  	s2 =	sld [smem:$0x3F9D];
	s0 =	simm.s32 @p1 $0x1  }
0x15: {  	[smem:$0x3FBA] =	sst s0;
	s0 =	simm.s32 @!p2 $0x0  }
0x16: {  	s3 =	sld [smem:$0x3FDB];
	s0 =	simm.s32 @p2 $0x1  }
0x17: {  	s4 =	simm.s32 $0x1BF5;
	[smem:$0x3FBC] =	sst s0  }
0x18: {  	s0 =	sld [smem:$0x3F9F];
	_ =	swait.ge [sflag:s4], $0x0  }
0x19: {  	s7 =	sld [smem:$0x3FA0]  }
0x1a: {  	s8 =	sadd.s32 $0xFFFFE003, lr  }
0x1b: {  	s9 =	sadd.s32 $0xFFFFFEF7, lr;
	s5 =	simm.s32 $0xFFFFFFFF;
	p2 =	slt.u32 s8, $0xFFFFF086  }
0x1c: {  	p1 =	slt.u32 s9, $0xF7A;
	s5 =	simm.s32 @!p2 $0x0  }
0x1d: {  	s5 =	simm.s32 @p1 $0x1;
	p0 =	seq.s32 s7, s2  }
0x1e: {  	s7 =	smul.u32 @!p0 $0xF7A, s2;
	p2 =	seq.s32 @!p0 s5, $0x0  }
0x1f: {  	s9 =	smul.u32 $0xF7A, s1;
	s8 =	simm.s32 @!p0 $0x1BF5;
	p2 =	por !p2, p0  }
0x20: {  	[sflag:s8] =	ssyncset.s32 @!p0 $0xFFFFF086;
	s6 =	sadd.s32 @!p0 s3, s7;
	s7 =	simm.s32 @!p0 $0x108  }
0x21: {  	s3 =	sadd.s32 s3, s9;
	s6 =	sadd.s32 @!p0 $0x88, s6;
	s7 =	simm.s32 @p2 $0x1082  }
0x22: {  	[simem:s7], [sflag:s8] =	dma.local @!p0 [hbm:s6], $0xF7A  }
0x23: {  	s9 =	sor.u32 $0xD0000000, s2;
	s6 =	simm.s32 $0x108;
	_ =	swait.ge @!p0 [sflag:s8], $0x0  }
0x24: {  	s3 =	sadd.s32 $0x88, s3;
	s6 =	simm.s32 @!p1 $0x1082;
	[sflag:s4] =	ssyncset.s32 $0xFFFFF086  }
0x25: {  	[simem:s6], [sflag:s4] =	dma.local [hbm:s3], $0xF7A  }
0x26: {  	[smem:$0x3FA0] =	sst s1;
	(tag) =	ssettag s2;
	_ =	strace s9  }
0x27: {  	s1 =	sld [smem:$0x3FB0]  }
0x28: {  	s2 =	sld [smem:$0x3FB1]  }
0x29: {  	s4 =	sld [smem:$0x3FB3]  }
0x2a: {  	p0 =	seq.s32 s5, $0x0;
	s5 =	sld [smem:$0x3FB4]  }
0x2b: {  	s6 =	sld [smem:$0x3FB5]  }
0x2c: {  	s7 =	sld [smem:$0x3FB6]  }
0x2d: {  	s3 =	simm.s32 $0x108;
	s8 =	sld [smem:$0x3FB7]  }
0x2e: {  	s3 =	simm.s32 @!p0 $0x1082;
	s9 =	sld [smem:$0x3FB8]  }
0x2f: {  	lr =	sadd.s32 s0, s3;
	s0 =	sld [smem:$0x3FAF]  }
0x30: {  	s3 =	sld [smem:$0x3FB2]  }
0x31: {  	[smem:$0x3FBB] =	sst s10  }
0x32: {  	s10 =	sld [smem:$0x3FB9];
	_ =	sdelay $0x3  }
0x33: {  	p0 =	seq.s32 s10, $0x1;
	s10 =	sld [smem:$0x3FBB];
	_ =	sdelay $0x3  }
0x34: {  	[smem:$0x3FBB] =	sst s10  }
0x35: {  	s10 =	sld [smem:$0x3FBA];
	_ =	sdelay $0x3  }
0x36: {  	p1 =	seq.s32 s10, $0x1;
	s10 =	sld [smem:$0x3FBB];
	_ =	sdelay $0x3  }
0x37: {  	[smem:$0x3FBB] =	sst s10  }
0x38: {  	s10 =	sld [smem:$0x3FBC]  }
0x39: {  	_ = 	snop;
	(pc) =	sbr.ind lr, $3  }
0x3a: {  	_ = 	snop  }
0x3b: {  	_ = 	snop  }
0x3c: {  	p2 =	seq.s32 s10, $0x1;
	s10 =	sld [smem:$0x3FBB]  }
0x3d: {  	_ =	shalt  }
0x3e: {  	_ =	shalt  }
0x3f: {  	_ =	shalt  }
0x40: {  	_ =	shalt  }
0x41: {  	_ =	shalt  }
0x42: {  	_ =	shalt  }
0x43: {  	_ =	shalt  }
0x44: {  	_ =	shalt  }
0x45: {  	_ =	shalt  }
0x46: {  	_ =	shalt  }
0x47: {  	_ =	shalt  }
0x48: {  	_ =	shalt  }
0x49: {  	_ =	shalt  }
0x4a: {  	_ =	shalt  }
0x4b: {  	_ =	shalt  }
0x4c: {  	_ =	shalt  }
0x4d: {  	_ =	shalt  }
0x4e: {  	_ =	shalt  }
0x4f: {  	_ =	shalt  }
0x50: {  	_ =	shalt  }
0x51: {  	_ =	shalt  }
0x52: {  	_ =	shalt  }
0x53: {  	_ =	shalt  }
0x54: {  	_ =	shalt  }
0x55: {  	_ =	shalt  }
0x56: {  	_ =	shalt  }
0x57: {  	_ =	shalt  }
0x58: {  	_ =	shalt  }
0x59: {  	_ =	shalt  }
0x5a: {  	_ =	shalt  }
0x5b: {  	_ =	shalt  }
0x5c: {  	_ =	shalt  }
0x5d: {  	_ =	shalt  }
0x5e: {  	_ =	shalt  }
0x5f: {  	_ =	shalt  }
0x60: {  	_ =	shalt  }
0x61: {  	_ =	shalt  }
0x62: {  	_ =	shalt  }
0x63: {  	_ =	shalt  }
0x64: {  	_ =	shalt  }
0x65: {  	_ =	shalt  }
0x66: {  	_ =	shalt  }
0x67: {  	_ =	shalt  }
0x68: {  	_ =	shalt  }
0x69: {  	_ =	shalt  }
0x6a: {  	_ =	shalt  }
0x6b: {  	_ =	shalt  }
0x6c: {  	_ =	shalt  }
0x6d: {  	_ =	shalt  }
0x6e: {  	_ =	shalt  }
0x6f: {  	_ =	shalt  }
0x70: {  	_ =	shalt  }
0x71: {  	_ =	shalt  }
0x72: {  	_ =	shalt  }
0x73: {  	_ =	shalt  }
0x74: {  	_ =	shalt  }
0x75: {  	_ =	shalt  }
0x76: {  	_ =	shalt  }
0x77: {  	_ =	shalt  }
0x78: {  	_ =	shalt  }
0x79: {  	_ =	shalt  }
0x7a: {  	_ =	shalt  }
0x7b: {  	_ =	shalt  }
0x7c: {  	_ =	shalt  }
0x7d: {  	_ =	shalt  }
0x7e: {  	_ =	shalt  }
0x7f: {  	_ =	shalt  }
0x80: {  	_ =	shalt  }
0x81: {  	_ =	shalt  }
0x82: {  	_ =	shalt  }
0x83: {  	_ =	shalt  }
0x84: {  	_ =	shalt  }
0x85: {  	_ =	shalt  }
0x86: {  	_ =	shalt  }
0x87: {  	_ =	shalt  }
.Lfunc_end0:
.L_simem_size_0:
called_computation_lowered:
.L_overlay_start_0:
0x88: {  	s2 =	sld [smem:$0x3FD9]  }
0x89: {  	s3 =	sld [smem:$0x3FFE];
	_ =	sdelay $0x1  }
0x8a: {  	s1 =	srdreg.scid  }
0x8b: {  	s0 =	sand.u32 $0x1, s1  }
0x8c: {  	s14 =	sshll.u32 s0, $0xA;
	s2 =	sadd.s32 s3, s2  }
0x8d: {  	s2 =	sadd.s32 s2, s14  }
0x8e: {  	[smem:$0x3FC7] =	sst s2  }
0x8f: {  	_ = 	snop  }
0x90: {  	s2 =	sld [smem:$0x3FD0];
	_ =	sdelay $0x2  }
0x91: {  	s4 =	simm.s32 $0xA;
	s5 =	simm.s32 $0x10;
	s15 =	sld [smem:$0x3FC9]  }
0x92: {  	[smem:s5], [sflag:s4] =	dma.local [hbm:s2], $0x1  }
0x93: {  	_ =	swait.eq [sflag:s4], $0x1  }
0x94: {  	[sflag:s4] =	ssyncset.done $0x0  }
0x95: {  	[sflag:s4] =	ssyncadd.s32 $0xFFFFFFFF  }
0x96: {  	s16 =	sld [smem:$0x11];
	(tm) =	ssettm $0x1  }
0x97: {  	s17 =	sld [smem:$0x3FFB];
	_ =	sdelay $0x3  }
0x98: {  	_ =	strace s17  }
0x99: {  	s4 =	sld [smem:$0x3FFC];
	_ =	sdelay $0x3  }
0x9a: {  	_ =	strace s4  }
0x9b: {  	s4 =	sld [smem:$0x3FFD];
	_ =	sdelay $0x3  }
0x9c: {  	_ =	strace s4  }
0x9d: {  	_ =	strace $0x8FFFFFFF  }
0x9e: {  	s18 =	sld [smem:$0x3FDB];
	_ =	sdelay $0x1  }
0x9f: {  	s19 =	simm.s32 $_scs_section_size  }
0xa0: {  	s6 =	simm.s32 $_size__tile_overlayer_lowered;
	s7 =	simm.s32 $_tile_overlayer_lowered  }
0xa1: {  	s22 =	simm.s32 $0x1BFF;
	s21 =	sshll.u32 s7, $0x1;
	s4 =	sadd.s32 s19, s18  }
0xa2: {  	s8 =	simm.s32 $0x0;
	s20 =	sshll.u32 s6, $0x1;
	s6 =	sadd.s32 s21, s4  }
0xa3: {  	[timem:s8], [sflag:s22] =	dma.local [hbm:s6], s20  }
0xa4: {  	_ =	swait.ge [sflag:s22], s20  }
0xa5: {  	s5 =	ssub.s32 $0x0, s20;
	[sflag:s22] =	ssyncset.done $0x0  }
0xa6: {  	[sflag:s22] =	ssyncadd.s32 s5;
	_ =	sdelay $0x1  }
0xa7: {  	s23 =	simm.s32 $0x1B8B  }
0xa8: {  	_ =	swait.ge [sflag:s23], $0x1  }
0xa9: {  	[sflag:s23] =	ssyncset.done $0x0  }
0xaa: {  	s25 =	simm.s32 $0x1B8E;
	s24 =	sld [smem:$0x3FFE];
	[sflag:s23] =	ssyncadd.s32 $0xFFFFFFFF  }
0xab: {  	s26 =	simm.s32 $execute0_lowered;
	[smem:$0x3FD2] =	sst s25  }
0xac: {  	s6 =	sshll.u32 s26, $0x1;
	_ =	strace $0x80000046;
	[dreg:$0x1] =	wrdreg $0xFFFFFFFF  }
0xad: {  	s28 =	simm.s32 $_size_execute0_lowered;
	s4 =	sadd.s32 s4, s6;
	[dreg:$0x0] =	wrdreg $0x0  }
0xae: {  	s6 =	sshll.u32 s28, $0x1;
	[dreg:$0x2] =	wrdreg s4  }
0xaf: {  	[dreg:$0x3] =	wrdreg s6  }
0xb0: {  	[dreg:$0x4] =	wrdreg $0xC0  }
0xb1: {  	_ =	task [dreg:s8], $0x5FFFF  }
0xb2: {  	[dreg:$0x1] =	wrdreg $0xFFFFFFFF  }
0xb3: {  	[dreg:$0x0] =	wrdreg $0x60  }
0xb4: {  	[dreg:$0x2] =	wrdreg s15  }
0xb5: {  	[dreg:$0x3] =	wrdreg s24  }
0xb6: {  	[dreg:$0x4] =	wrdreg s16  }
0xb7: {  	[dreg:$0x5] =	wrdreg $0x9  }
0xb8: {  	_ =	task.clear_ibuf [dreg:s8], $0x6FFFF;
	_ =	strace $0x90000046  }
0xb9: {  	s29 =	simm.s32 $0x9;
	_ =	strace $0x80000048  }
0xba: {  	_ =	swait.ge [sflag:s29], $0x1  }
0xbb: {  	[sflag:s29] =	ssyncadd.s32 $0xFFFFFFFF  }
0xbc: {  	_ =	strace $0x90000048  }
0xbd: {  	_ =	sfence  }
0xbe: {  	s30 =	sld [smem:$0x0];
	_ =	sdelay $0x2  }
0xbf: {  	s31 =	sshll.u32 s1, $0xD;
	s1 =	sshrl.u32 s1, $0x2  }
0xc0: {  	s3 =	sand.u32 $0x4000, s31;
	s1 =	sadd.s32 s1, s30  }
0xc1: {  	s0 =	sor.u32 s3, s0;
	s1 =	sshll.u32 s1, $0x11  }
0xc2: {  	s0 =	sor.u32 s1, s0  }
0xc3: {  	s0 =	sadd.s32 $0x8F2B, s0  }
0xc4: {  	[sflag:s0] =	ssyncadd.remote.s32 $0x1  }
0xc5: {  	_ =	sfence.sel $0xFFFF  }
0xc6: {  	[dreg:$0x0] =	wrdreg $0xFFFFFFFF;
	(pc) =	sbr.abs _section_cstart, $3  }
0xc7: {  	[dreg:$0x1] =	wrdreg $0xFFFFFFFF  }
0xc8: {  	_ =	task.clear_ibuf [dreg:s8], $0x2FFFF;
	_ =	strace $0x9FFFFFFF  }
0xc9: {  	(tm) =	ssettm $0x7FFFFFFF  }
tec
execute0_lowered:
.L_overlay_start_1:
0x0: {  	(tag) =	ssettag $0x1  }
0x1: {  	s1 =	rddreg [dreg:$0x0]  }
0x2: {  	s0 =	rddreg [dreg:$0x1]  }
0x3: {  	s2 =	rddreg [dreg:$0x2]  }
0x4: {  	s4 =	srdreg.scid;
	s8 =	stileid.u32;
	s3 =	simm.s32 $0x0  }
0x5: {  	s18 =	simm.s32 $0xD800;
	s31 =	simm.s32 $0x13000;
	s14 =	simm.s32 $0x14000  }
0x6: {  	s15 =	simm.s32 $0x14800;
	s16 =	simm.s32 $0x15000;
	s17 =	simm.s32 $0x15800  }
0x7: {  	s12 =	simm.s32 $0x17000;
	s13 =	simm.s32 $0x17800;
	s19 =	simm.s32 $0x18800  }
0x8: {  	s20 =	simm.s32 $0x19000;
	s21 =	simm.s32 $0x2;
	s29 =	simm.s32 $0x0  }
0x9: {  	s4 =	sand.u32 $0x1, s4;
	s5 =	smul.u32 $0xC00, s8;
	[smem:$0x7FF] =	sst s3  }
0xa: {  	s8 =	sshll.u32 s8, $0x1;
	s6 =	smul.u32 $0x600, s4;
	s7 =	ssub.s32 $0x2, s4  }
0xb: {  	_ =	strace $0x80000047;
	s4 =	sor.u32 s4, s8;
	s22 =	sshrl.u32 s7, $0x1  }
0xc: {  	s4 =	smul.u32 $0x300, s4;
	s5 =	sadd.s32 s6, s5;
	s7 =	ssub.s32 s7, s22  }
0xd: {  	s6 =	sadd.s32 $0x200, s1;
	s22 =	simm.s32 $0x3;
	s23 =	sor.u32 $0x60, s5  }
0xe: {  	s25 =	sshrl.u32 s5, $0x3;
	s9 =	sor.u32 $0x20, s5;
	s5 =	sor.u32 $0x40, s5  }
0xf: {  	s0 =	sadd.s32 s0, s4;
	s7 =	smax.u32 s7, $0x1;
	s24 =	sshrl.u32 s23, $0x3  }
0x10: {  	s10 =	smul.u32 $0x300, s25;
	s26 =	sshrl.u32 s9, $0x3;
	[dreg:$0x4] =	wrdreg s0  }
0x11: {  	s30 =	sshrl.u32 s5, $0x3;
	s5 =	sadd.s32 $0x100, s1;
	s8 =	smul.u32 $0x300, s24  }
.Ltmp0:
0x12: {  	[dreg:$0x5] =	wrdreg s7;
	s0 =	simm.s32 $0x1;
	(pc) =	sbr.rel .LBB2_1-.Ltmp0, $4  }
0x13: {  	s7 =	simm.s32 $0x16800;
	s25 =	simm.s32 $0x18000;
	s28 =	smul.u32 $0x300, s26  }
0x14: {  	v2 =	vlaneseq.u32;
	s23 =	simm.s32 $0x4;
	s4 =	smul.u32 $0x300, s30;
	s24 =	simm.s32 $0x7  }
0x15: {  	vm0 =	vmmov $0xffff;
	v1 =	vshrl.u32 v2, $0x3;
	s9 =	sadd.s32 s10, s2;
	s8 =	sadd.s32 s8, s2;
	s10 =	sadd.s32 s28, s2  }
0x16: {  	v0 =	vand.u32 $0x7, v2;
	v2 =	vor.u32 $0x8, v2;
	v1 =	vmul.u32 $0x8, v1;
	s11 =	sadd.s32 s4, s2;
	s2 =	simm.s32 $0x13800;
	s4 =	simm.s32 $0x16000  }
.LBB2_4:
0x17: {  	s26 =	simm.s32 $0x5  }
0x18: {  	_ =	swait.ge [sflag:s26], $0x6000  }
0x19: {  	[sflag:s26] =	ssyncset.done $0x0  }
0x1a: {  	s28 =	simm.s32 $0x6;
	[sflag:s26] =	ssyncadd.s32 $0xFFFFA000  }
0x1b: {  	_ =	swait.ge [sflag:s28], $0x6000  }
0x1c: {  	[sflag:s28] =	ssyncset.done $0x0  }
0x1d: {  	[sflag:s28] =	ssyncadd.s32 $0xFFFFA000  }
0x1e: {  	_ =	swait.ge [sflag:s24], $0x6000  }
0x1f: {  	[sflag:s24] =	ssyncset.done $0x0  }
0x20: {  	s28 =	simm.s32 $0x8;
	[sflag:s24] =	ssyncadd.s32 $0xFFFFA000  }
0x21: {  	_ =	swait.ge [sflag:s28], $0x6000  }
0x22: {  	s29 =	rddreg [dreg:$0x6]  }
0x23: {  	s30 =	rddreg [dreg:$0x5];
	s29 =	sadd.s32 $0x1, s29  }
0x24: {  	p0 =	sne.s32 s29, s30  }
.Ltmp1:
0x25: {  	_ = 	snop;
	(pc) =	sbr.rel @!p0 .LBB2_5-.Ltmp1, $3  }
0x26: {  	_ =	sdelay $0x1  }
0x27: {  	[sflag:s28] =	ssyncset.done $0x0  }
0x28: {  	[sflag:s28] =	ssyncadd.s32 $0xFFFFA000  }
.LBB2_1:
0x29: {  	[dreg:$0x6] =	wrdreg s29  }
0x2a: {  	s26 =	rddreg [dreg:$0x4];
	s30 =	simm.s32 $0x9  }
0x2b: {  	[tilespmem:s3], [sflag:$0x9] =	stream.linear.gather [hbm4b:s26+s3], $0x1800, $0x38;
	[tilespmem:$0x19800] =	vst v63  }
0x2c: {  	_ =	swait.ge [sflag:s30], $0x1800  }
0x2d: {  	[sflag:s30] =	ssyncset.done $0x0  }
0x2e: {  	[sflag:s30] =	ssyncadd.s32 $0xFFFFE800  }
0x2f: {  	v3 =	vld [tilespmem:$0x0];
	_ =	sdelay $0x4  }
0x30: {  	v4 =	vshrl.u32 v3, $0x3  }
0x31: {  	v4 =	vmul.u32 $0x30, v4  }
0x32: {  	v3 =	vand.u32 $0x7, v3  }
0x33: {  	v3 =	vor.u32 v3, v4  }
0x34: {  	v4 =	vperm.xlane v3, v0;
	_ =	sdelay $0x1  }
0x35: {  	v4 =	vadd.s32 v1, v4;
	_ =	sdelay $0x3  }
0x36: {  	s29 =	simm.s32 $0x1800;
	v3 =	vperm.xlane v3, v2  }
0x37: {  	[tilespmem:s29], [sflag:$0x1] =	stream.indirect_vreg.gather [hbm4b:s1+s3], $0x80, v4, vm0, $0xb8;
	[tilespmem:$0x19800] =	vst v63  }
0x38: {  	s30 =	simm.s32 $0x2000;
	v3 =	vadd.s32 v1, v3  }
0x39: {  	[tilespmem:s30], [sflag:$0x1] =	stream.indirect_vreg.gather [hbm4b:s5+s3], $0x80, v4, vm0, $0xb8;
	[tilespmem:$0x19800] =	vst v63  }
0x3a: {  	s29 =	simm.s32 $0x2800  }
0x3b: {  	[tilespmem:s29], [sflag:$0x1] =	stream.indirect_vreg.gather [hbm4b:s6+s3], $0x80, v4, vm0, $0xb8;
	[tilespmem:$0x19800] =	vst v63  }
0x3c: {  	s30 =	simm.s32 $0x3000  }
0x3d: {  	[tilespmem:s30], [sflag:$0x1] =	stream.indirect_vreg.gather [hbm4b:s1+s3], $0x80, v3, vm0, $0xb8;
	[tilespmem:$0x19800] =	vst v63  }
0x3e: {  	s29 =	simm.s32 $0x3800  }
0x3f: {  	[tilespmem:s29], [sflag:$0x1] =	stream.indirect_vreg.gather [hbm4b:s5+s3], $0x80, v3, vm0, $0xb8;
	[tilespmem:$0x19800] =	vst v63  }
0x40: {  	s30 =	simm.s32 $0x4000  }
0x41: {  	[tilespmem:s30], [sflag:$0x1] =	stream.indirect_vreg.gather [hbm4b:s6+s3], $0x80, v3, vm0, $0xb8;
	[tilespmem:$0x19800] =	vst v63  }
0x42: {  	v3 =	vld [tilespmem:$0x10];
	_ =	sdelay $0x4  }
0x43: {  	v59 =	vshrl.u32 v3, $0x3  }
0x44: {  	v4 =	vmul.u32 $0x30, v59  }
0x45: {  	v3 =	vand.u32 $0x7, v3  }
0x46: {  	v3 =	vor.u32 v3, v4  }
0x47: {  	v4 =	vperm.xlane v3, v0;
	_ =	sdelay $0x1  }
0x48: {  	v4 =	vadd.s32 v1, v4;
	_ =	sdelay $0x3  }
0x49: {  	s29 =	simm.s32 $0x4800;
	v3 =	vperm.xlane v3, v2  }
0x4a: {  	[tilespmem:s29], [sflag:$0x1] =	stream.indirect_vreg.gather [hbm4b:s1+s3], $0x80, v4, vm0, $0xb8;
	[tilespmem:$0x19800] =	vst v63  }
0x4b: {  	s30 =	simm.s32 $0x5000;
	v3 =	vadd.s32 v1, v3  }
0x4c: {  	[tilespmem:s30], [sflag:$0x1] =	stream.indirect_vreg.gather [hbm4b:s5+s3], $0x80, v4, vm0, $0xb8;
	[tilespmem:$0x19800] =	vst v63  }
0x4d: {  	s29 =	simm.s32 $0x5800  }
0x4e: {  	[tilespmem:s29], [sflag:$0x1] =	stream.indirect_vreg.gather [hbm4b:s6+s3], $0x80, v4, vm0, $0xb8;
	[tilespmem:$0x19800] =	vst v63  }
0x4f: {  	s30 =	simm.s32 $0x6000  }
0x50: {  	[tilespmem:s30], [sflag:$0x1] =	stream.indirect_vreg.gather [hbm4b:s1+s3], $0x80, v3, vm0, $0xb8;
	[tilespmem:$0x19800] =	vst v63  }
0x51: {  	s29 =	simm.s32 $0x6800  }
0x52: {  	[tilespmem:s29], [sflag:$0x1] =	stream.indirect_vreg.gather [hbm4b:s5+s3], $0x80, v3, vm0, $0xb8;
	[tilespmem:$0x19800] =	vst v63  }
0x53: {  	s30 =	simm.s32 $0x7000  }
0x54: {  	[tilespmem:s30], [sflag:$0x1] =	stream.indirect_vreg.gather [hbm4b:s6+s3], $0x80, v3, vm0, $0xb8;
	[tilespmem:$0x19800] =	vst v63  }
0x55: {  	v3 =	vld [tilespmem:$0x80];
	_ =	sdelay $0x4  }
0x56: {  	v60 =	vshrl.u32 v3, $0x3  }
0x57: {  	v4 =	vmul.u32 $0x30, v60  }
0x58: {  	v3 =	vand.u32 $0x7, v3  }
0x59: {  	v3 =	vor.u32 v3, v4  }
0x5a: {  	v4 =	vperm.xlane v3, v0;
	_ =	sdelay $0x1  }
0x5b: {  	v4 =	vadd.s32 v1, v4;
	_ =	sdelay $0x3  }
0x5c: {  	s29 =	simm.s32 $0x7800;
	v3 =	vperm.xlane v3, v2  }
0x5d: {  	[tilespmem:s29], [sflag:$0x2] =	stream.indirect_vreg.gather [hbm4b:s1+s3], $0x80, v4, vm0, $0xb8;
	[tilespmem:$0x19800] =	vst v63  }
0x5e: {  	s30 =	simm.s32 $0x8000;
	v3 =	vadd.s32 v1, v3  }
0x5f: {  	[tilespmem:s30], [sflag:$0x2] =	stream.indirect_vreg.gather [hbm4b:s5+s3], $0x80, v4, vm0, $0xb8;
	[tilespmem:$0x19800] =	vst v63  }
0x60: {  	s29 =	simm.s32 $0x8800  }
0x61: {  	[tilespmem:s29], [sflag:$0x2] =	stream.indirect_vreg.gather [hbm4b:s6+s3], $0x80, v4, vm0, $0xb8;
	[tilespmem:$0x19800] =	vst v63  }
0x62: {  	s30 =	simm.s32 $0x9000  }
0x63: {  	[tilespmem:s30], [sflag:$0x2] =	stream.indirect_vreg.gather [hbm4b:s1+s3], $0x80, v3, vm0, $0xb8;
	[tilespmem:$0x19800] =	vst v63  }
0x64: {  	s29 =	simm.s32 $0x9800  }
0x65: {  	[tilespmem:s29], [sflag:$0x2] =	stream.indirect_vreg.gather [hbm4b:s5+s3], $0x80, v3, vm0, $0xb8;
	[tilespmem:$0x19800] =	vst v63  }
0x66: {  	s30 =	simm.s32 $0xA000  }
0x67: {  	[tilespmem:s30], [sflag:$0x2] =	stream.indirect_vreg.gather [hbm4b:s6+s3], $0x80, v3, vm0, $0xb8;
	[tilespmem:$0x19800] =	vst v63  }
0x68: {  	v3 =	vld [tilespmem:$0x90];
	_ =	sdelay $0x4  }
0x69: {  	v61 =	vshrl.u32 v3, $0x3  }
0x6a: {  	v4 =	vmul.u32 $0x30, v61  }
0x6b: {  	v3 =	vand.u32 $0x7, v3  }
0x6c: {  	v3 =	vor.u32 v3, v4  }
0x6d: {  	v4 =	vperm.xlane v3, v0;
	_ =	sdelay $0x1  }
0x6e: {  	v4 =	vadd.s32 v1, v4;
	_ =	sdelay $0x3  }
0x6f: {  	s29 =	simm.s32 $0xA800;
	v3 =	vperm.xlane v3, v2  }
0x70: {  	[tilespmem:s29], [sflag:$0x2] =	stream.indirect_vreg.gather [hbm4b:s1+s3], $0x80, v4, vm0, $0xb8;
	[tilespmem:$0x19800] =	vst v63  }
0x71: {  	s30 =	simm.s32 $0xB000;
	v3 =	vadd.s32 v1, v3  }
0x72: {  	[tilespmem:s30], [sflag:$0x2] =	stream.indirect_vreg.gather [hbm4b:s5+s3], $0x80, v4, vm0, $0xb8;
	[tilespmem:$0x19800] =	vst v63  }
0x73: {  	s29 =	simm.s32 $0xB800  }
0x74: {  	[tilespmem:s29], [sflag:$0x2] =	stream.indirect_vreg.gather [hbm4b:s6+s3], $0x80, v4, vm0, $0xb8;
	[tilespmem:$0x19800] =	vst v63  }
0x75: {  	s30 =	simm.s32 $0xC000  }
0x76: {  	[tilespmem:s30], [sflag:$0x2] =	stream.indirect_vreg.gather [hbm4b:s1+s3], $0x80, v3, vm0, $0xb8;
	[tilespmem:$0x19800] =	vst v63  }
0x77: {  	s29 =	simm.s32 $0xC800  }
0x78: {  	[tilespmem:s29], [sflag:$0x2] =	stream.indirect_vreg.gather [hbm4b:s5+s3], $0x80, v3, vm0, $0xb8;
	[tilespmem:$0x19800] =	vst v63  }
0x79: {  	s30 =	simm.s32 $0xD000  }
0x7a: {  	[tilespmem:s30], [sflag:$0x2] =	stream.indirect_vreg.gather [hbm4b:s6+s3], $0x80, v3, vm0, $0xb8;
	[tilespmem:$0x19800] =	vst v63  }
0x7b: {  	v3 =	vld [tilespmem:$0x100];
	_ =	sdelay $0x4  }
0x7c: {  	v62 =	vshrl.u32 v3, $0x3  }
0x7d: {  	v4 =	vmul.u32 $0x30, v62  }
0x7e: {  	v3 =	vand.u32 $0x7, v3  }
0x7f: {  	v3 =	vor.u32 v3, v4  }
0x80: {  	v4 =	vperm.xlane v3, v0;
	_ =	sdelay $0x1  }
0x81: {  	v4 =	vadd.s32 v1, v4;
	_ =	sdelay $0x3  }
0x82: {  	v3 =	vperm.xlane v3, v2  }
0x83: {  	[tilespmem:s18], [sflag:$0x3] =	stream.indirect_vreg.gather [hbm4b:s1+s3], $0x80, v4, vm0, $0xb8;
	[tilespmem:$0x19800] =	vst v63  }
0x84: {  	s29 =	simm.s32 $0xE000;
	v3 =	vadd.s32 v1, v3  }
0x85: {  	[tilespmem:s29], [sflag:$0x3] =	stream.indirect_vreg.gather [hbm4b:s5+s3], $0x80, v4, vm0, $0xb8;
	[tilespmem:$0x19800] =	vst v63  }
0x86: {  	s30 =	simm.s32 $0xE800  }
0x87: {  	[tilespmem:s30], [sflag:$0x3] =	stream.indirect_vreg.gather [hbm4b:s6+s3], $0x80, v4, vm0, $0xb8;
	[tilespmem:$0x19800] =	vst v63  }
0x88: {  	s29 =	simm.s32 $0xF000  }
0x89: {  	[tilespmem:s29], [sflag:$0x3] =	stream.indirect_vreg.gather [hbm4b:s1+s3], $0x80, v3, vm0, $0xb8;
	[tilespmem:$0x19800] =	vst v63  }
0x8a: {  	s30 =	simm.s32 $0xF800  }
0x8b: {  	[tilespmem:s30], [sflag:$0x3] =	stream.indirect_vreg.gather [hbm4b:s5+s3], $0x80, v3, vm0, $0xb8;
	[tilespmem:$0x19800] =	vst v63  }
0x8c: {  	s29 =	simm.s32 $0x10000  }
0x8d: {  	[tilespmem:s29], [sflag:$0x3] =	stream.indirect_vreg.gather [hbm4b:s6+s3], $0x80, v3, vm0, $0xb8;
	[tilespmem:$0x19800] =	vst v63  }
0x8e: {  	v3 =	vld [tilespmem:$0x110];
	_ =	sdelay $0x4  }
0x8f: {  	v63 =	vshrl.u32 v3, $0x3  }
0x90: {  	v4 =	vmul.u32 $0x30, v63  }
0x91: {  	v3 =	vand.u32 $0x7, v3  }
0x92: {  	v3 =	vor.u32 v3, v4  }
0x93: {  	v4 =	vperm.xlane v3, v0;
	_ =	sdelay $0x1  }
0x94: {  	v4 =	vadd.s32 v1, v4;
	_ =	sdelay $0x3  }
0x95: {  	s30 =	simm.s32 $0x10800;
	v3 =	vperm.xlane v3, v2  }
0x96: {  	[tilespmem:s30], [sflag:$0x3] =	stream.indirect_vreg.gather [hbm4b:s1+s3], $0x80, v4, vm0, $0xb8;
	[tilespmem:$0x19800] =	vst v63  }
0x97: {  	s29 =	simm.s32 $0x11000;
	v3 =	vadd.s32 v1, v3  }
0x98: {  	[tilespmem:s29], [sflag:$0x3] =	stream.indirect_vreg.gather [hbm4b:s5+s3], $0x80, v4, vm0, $0xb8;
	[tilespmem:$0x19800] =	vst v63  }
0x99: {  	s30 =	simm.s32 $0x11800  }
0x9a: {  	[tilespmem:s30], [sflag:$0x3] =	stream.indirect_vreg.gather [hbm4b:s6+s3], $0x80, v4, vm0, $0xb8;
	[tilespmem:$0x19800] =	vst v63  }
0x9b: {  	s29 =	simm.s32 $0x12000  }
0x9c: {  	[tilespmem:s29], [sflag:$0x3] =	stream.indirect_vreg.gather [hbm4b:s1+s3], $0x80, v3, vm0, $0xb8;
	[tilespmem:$0x19800] =	vst v63  }
0x9d: {  	s30 =	simm.s32 $0x12800  }
0x9e: {  	[tilespmem:s30], [sflag:$0x3] =	stream.indirect_vreg.gather [hbm4b:s5+s3], $0x80, v3, vm0, $0xb8;
	[tilespmem:$0x19800] =	vst v63  }
0x9f: {  	s28 =	simm.s32 $0x0;
	s26 =	simm.s32 $0x190  }
0xa0: {  	[tilespmem:s31], [sflag:$0x3] =	stream.indirect_vreg.gather [hbm4b:s6+s3], $0x80, v3, vm0, $0xb8;
	[tilespmem:$0x19800] =	vst v63  }
.LBB2_2:
0xa1: {  	_ =	swait.ge [sflag:s0], $0x6000  }
0xa2: {  	s29 =	sadd.s32 s28, s9;
	[sflag:s0] =	ssyncset.done $0x0  }
0xa3: {  	s30 =	simm.s32 $0x1800;
	p0 =	seq.s32 s28, $0x0;
	[sflag:s0] =	ssyncadd.s32 $0xFFFFA000  }
0xa4: {  	[hbm4b:s29+s3] =	stream.linear.scatter [tilespmem:s30], [sflag:$0x5], $0x6000, $0x38;
	[tilespmem:$0x19800] =	vst v63  }
0xa5: {  	s29 =	simm.s32 @!p0 $0x8  }
0xa6: {  	_ =	swait.ge @!p0 [sflag:s29], $0x6000  }
0xa7: {  	[sflag:s29] =	ssyncset.done @!p0 $0x0  }
0xa8: {  	[sflag:s29] =	ssyncadd.s32 @!p0 $0xFFFFA000  }
0xa9: {  	v3 =	vld [tilespmem:s26+$0xFFFFFFF0];
	_ =	sdelay $0x4  }
0xaa: {  	v4 =	vshrl.u32 v3, $0x3  }
0xab: {  	v4 =	vmul.u32 $0x30, v4  }
0xac: {  	v3 =	vand.u32 $0x7, v3  }
0xad: {  	v3 =	vor.u32 v3, v4  }
0xae: {  	v4 =	vperm.xlane v3, v0;
	_ =	sdelay $0x1  }
0xaf: {  	v4 =	vadd.s32 v1, v4;
	_ =	sdelay $0x3  }
0xb0: {  	v3 =	vperm.xlane v3, v2  }
0xb1: {  	[tilespmem:s2], [sflag:$0x4] =	stream.indirect_vreg.gather [hbm4b:s1+s3], $0x80, v4, vm0, $0xb8;
	[tilespmem:$0x19800] =	vst v63  }
0xb2: {  	v3 =	vadd.s32 v1, v3  }
0xb3: {  	[tilespmem:s14], [sflag:$0x4] =	stream.indirect_vreg.gather [hbm4b:s5+s3], $0x80, v4, vm0, $0xb8;
	[tilespmem:$0x19800] =	vst v63  }
0xb4: {  	_ = 	snop  }
0xb5: {  	[tilespmem:s15], [sflag:$0x4] =	stream.indirect_vreg.gather [hbm4b:s6+s3], $0x80, v4, vm0, $0xb8;
	[tilespmem:$0x19800] =	vst v63  }
0xb6: {  	_ = 	snop  }
0xb7: {  	[tilespmem:s16], [sflag:$0x4] =	stream.indirect_vreg.gather [hbm4b:s1+s3], $0x80, v3, vm0, $0xb8;
	[tilespmem:$0x19800] =	vst v63  }
0xb8: {  	_ = 	snop  }
0xb9: {  	[tilespmem:s17], [sflag:$0x4] =	stream.indirect_vreg.gather [hbm4b:s5+s3], $0x80, v3, vm0, $0xb8;
	[tilespmem:$0x19800] =	vst v63  }
0xba: {  	_ = 	snop  }
0xbb: {  	[tilespmem:s4], [sflag:$0x4] =	stream.indirect_vreg.gather [hbm4b:s6+s3], $0x80, v3, vm0, $0xb8;
	[tilespmem:$0x19800] =	vst v63  }
0xbc: {  	v3 =	vld [tilespmem:s26+$0x0];
	_ =	sdelay $0x4  }
0xbd: {  	v63 =	vshrl.u32 v3, $0x3  }
0xbe: {  	v4 =	vmul.u32 $0x30, v63  }
0xbf: {  	v3 =	vand.u32 $0x7, v3  }
0xc0: {  	v3 =	vor.u32 v3, v4  }
0xc1: {  	v4 =	vperm.xlane v3, v0;
	_ =	sdelay $0x1  }
0xc2: {  	v4 =	vadd.s32 v1, v4;
	_ =	sdelay $0x3  }
0xc3: {  	v3 =	vperm.xlane v3, v2  }
0xc4: {  	[tilespmem:s7], [sflag:$0x4] =	stream.indirect_vreg.gather [hbm4b:s1+s3], $0x80, v4, vm0, $0xb8;
	[tilespmem:$0x19800] =	vst v63  }
0xc5: {  	v3 =	vadd.s32 v1, v3  }
0xc6: {  	[tilespmem:s12], [sflag:$0x4] =	stream.indirect_vreg.gather [hbm4b:s5+s3], $0x80, v4, vm0, $0xb8;
	[tilespmem:$0x19800] =	vst v63  }
0xc7: {  	_ = 	snop  }
0xc8: {  	[tilespmem:s13], [sflag:$0x4] =	stream.indirect_vreg.gather [hbm4b:s6+s3], $0x80, v4, vm0, $0xb8;
	[tilespmem:$0x19800] =	vst v63  }
0xc9: {  	_ = 	snop  }
0xca: {  	[tilespmem:s25], [sflag:$0x4] =	stream.indirect_vreg.gather [hbm4b:s1+s3], $0x80, v3, vm0, $0xb8;
	[tilespmem:$0x19800] =	vst v63  }
0xcb: {  	_ = 	snop  }
0xcc: {  	[tilespmem:s19], [sflag:$0x4] =	stream.indirect_vreg.gather [hbm4b:s5+s3], $0x80, v3, vm0, $0xb8;
	[tilespmem:$0x19800] =	vst v63  }
0xcd: {  	_ = 	snop  }
0xce: {  	[tilespmem:s20], [sflag:$0x4] =	stream.indirect_vreg.gather [hbm4b:s6+s3], $0x80, v3, vm0, $0xb8;
	[tilespmem:$0x19800] =	vst v63  }
0xcf: {  	_ =	swait.ge [sflag:s21], $0x6000  }
0xd0: {  	s30 =	simm.s32 $0x7800;
	[sflag:s21] =	ssyncset.done $0x0  }
0xd1: {  	s29 =	sadd.s32 s28, s10;
	p0 =	seq.s32 s28, $0x21000;
	[sflag:s21] =	ssyncadd.s32 $0xFFFFA000  }
0xd2: {  	[hbm4b:s29+s3] =	stream.linear.scatter [tilespmem:s30], [sflag:$0x6], $0x6000, $0x38;
	[tilespmem:$0x19800] =	vst v63  }
0xd3: {  	s29 =	simm.s32 @!p0 $0x5  }
0xd4: {  	_ =	swait.ge @!p0 [sflag:s29], $0x6000  }
0xd5: {  	[sflag:s29] =	ssyncset.done @!p0 $0x0  }
0xd6: {  	[sflag:s29] =	ssyncadd.s32 @!p0 $0xFFFFA000  }
0xd7: {  	v3 =	vld @!p0 [tilespmem:s26+$0x70];
	_ =	sdelay $0x4  }
0xd8: {  	v4 =	vshrl.u32 @!p0 v3, $0x3  }
0xd9: {  	v4 =	vmul.u32 @!p0 $0x30, v4  }
0xda: {  	v5 =	vlaneseq.u32 @!p0;
	v3 =	vand.u32 @!p0 $0x7, v3  }
0xdb: {  	v6 =	vshrl.u32 @!p0 v5, $0x3;
	v3 =	vor.u32 @!p0 v3, v4;
	v4 =	vand.u32 @!p0 $0x7, v5  }
0xdc: {  	v6 =	vmul.u32 @!p0 $0x8, v6;
	v7 =	vperm.xlane @!p0 v3, v4;
	_ =	sdelay $0x1  }
0xdd: {  	v7 =	vadd.s32 @!p0 v6, v7;
	_ =	sdelay $0x2  }
0xde: {  	v5 =	vor.u32 @!p0 $0x8, v5  }
0xdf: {  	vm1 =	vmmov @!p0 $0xffff;
	s30 =	simm.s32 @!p0 $0x1800;
	s29 =	simm.s32 @!p0 $0x0;
	v3 =	vperm.xlane @!p0 v3, v5  }
0xe0: {  	[tilespmem:s30], [sflag:$0x1] =	stream.indirect_vreg.gather @!p0 [hbm4b:s1+s29], $0x80, v7, vm1, $0xb8;
	[tilespmem:$0x19800] =	vst v63  }
0xe1: {  	v3 =	vadd.s32 @!p0 v6, v3;
	s30 =	simm.s32 @!p0 $0x2000  }
0xe2: {  	[tilespmem:s30], [sflag:$0x1] =	stream.indirect_vreg.gather @!p0 [hbm4b:s5+s29], $0x80, v7, vm1, $0xb8;
	[tilespmem:$0x19800] =	vst v63  }
0xe3: {  	s30 =	simm.s32 @!p0 $0x2800  }
0xe4: {  	[tilespmem:s30], [sflag:$0x1] =	stream.indirect_vreg.gather @!p0 [hbm4b:s6+s29], $0x80, v7, vm1, $0xb8;
	[tilespmem:$0x19800] =	vst v63  }
0xe5: {  	s30 =	simm.s32 @!p0 $0x3000  }
0xe6: {  	[tilespmem:s30], [sflag:$0x1] =	stream.indirect_vreg.gather @!p0 [hbm4b:s1+s29], $0x80, v3, vm1, $0xb8;
	[tilespmem:$0x19800] =	vst v63  }
0xe7: {  	s30 =	simm.s32 @!p0 $0x3800  }
0xe8: {  	[tilespmem:s30], [sflag:$0x1] =	stream.indirect_vreg.gather @!p0 [hbm4b:s5+s29], $0x80, v3, vm1, $0xb8;
	[tilespmem:$0x19800] =	vst v63  }
0xe9: {  	s30 =	simm.s32 @!p0 $0x4000  }
0xea: {  	[tilespmem:s30], [sflag:$0x1] =	stream.indirect_vreg.gather @!p0 [hbm4b:s6+s29], $0x80, v3, vm1, $0xb8;
	[tilespmem:$0x19800] =	vst v63  }
0xeb: {  	v3 =	vld @!p0 [tilespmem:s26+$0x80];
	_ =	sdelay $0x4  }
0xec: {  	v7 =	vshrl.u32 @!p0 v3, $0x3  }
0xed: {  	v7 =	vmul.u32 @!p0 $0x30, v7  }
0xee: {  	v3 =	vand.u32 @!p0 $0x7, v3  }
0xef: {  	v3 =	vor.u32 @!p0 v3, v7  }
0xf0: {  	v7 =	vperm.xlane @!p0 v3, v4;
	_ =	sdelay $0x1  }
0xf1: {  	v7 =	vadd.s32 @!p0 v6, v7;
	_ =	sdelay $0x3  }
0xf2: {  	s30 =	simm.s32 @!p0 $0x4800;
	v3 =	vperm.xlane @!p0 v3, v5  }
0xf3: {  	[tilespmem:s30], [sflag:$0x1] =	stream.indirect_vreg.gather @!p0 [hbm4b:s1+s29], $0x80, v7, vm1, $0xb8;
	[tilespmem:$0x19800] =	vst v63  }
0xf4: {  	v3 =	vadd.s32 @!p0 v6, v3;
	s30 =	simm.s32 @!p0 $0x5000  }
0xf5: {  	[tilespmem:s30], [sflag:$0x1] =	stream.indirect_vreg.gather @!p0 [hbm4b:s5+s29], $0x80, v7, vm1, $0xb8;
	[tilespmem:$0x19800] =	vst v63  }
0xf6: {  	s30 =	simm.s32 @!p0 $0x5800  }
0xf7: {  	[tilespmem:s30], [sflag:$0x1] =	stream.indirect_vreg.gather @!p0 [hbm4b:s6+s29], $0x80, v7, vm1, $0xb8;
	[tilespmem:$0x19800] =	vst v63  }
0xf8: {  	s30 =	simm.s32 @!p0 $0x6000  }
0xf9: {  	[tilespmem:s30], [sflag:$0x1] =	stream.indirect_vreg.gather @!p0 [hbm4b:s1+s29], $0x80, v3, vm1, $0xb8;
	[tilespmem:$0x19800] =	vst v63  }
0xfa: {  	s30 =	simm.s32 @!p0 $0x6800  }
0xfb: {  	[tilespmem:s30], [sflag:$0x1] =	stream.indirect_vreg.gather @!p0 [hbm4b:s5+s29], $0x80, v3, vm1, $0xb8;
	[tilespmem:$0x19800] =	vst v63  }
0xfc: {  	s30 =	simm.s32 @!p0 $0x7000  }
0xfd: {  	[tilespmem:s30], [sflag:$0x1] =	stream.indirect_vreg.gather @!p0 [hbm4b:s6+s29], $0x80, v3, vm1, $0xb8;
	[tilespmem:$0x19800] =	vst v63  }
0xfe: {  	_ =	swait.ge [sflag:s22], $0x6000  }
0xff: {  	[sflag:s22] =	ssyncset.done $0x0  }
0x100: {  	s30 =	sadd.s32 s28, s11;
	[sflag:s22] =	ssyncadd.s32 $0xFFFFA000  }
0x101: {  	[hbm4b:s30+s3] =	stream.linear.scatter [tilespmem:s18], [sflag:$0x7], $0x6000, $0x38;
	[tilespmem:$0x19800] =	vst v63  }
0x102: {  	s30 =	simm.s32 @!p0 $0x6  }
0x103: {  	_ =	swait.ge @!p0 [sflag:s30], $0x6000  }
0x104: {  	[sflag:s30] =	ssyncset.done @!p0 $0x0  }
0x105: {  	[sflag:s30] =	ssyncadd.s32 @!p0 $0xFFFFA000  }
0x106: {  	v3 =	vld @!p0 [tilespmem:s26+$0xF0];
	_ =	sdelay $0x4  }
0x107: {  	v7 =	vshrl.u32 @!p0 v3, $0x3  }
0x108: {  	v7 =	vmul.u32 @!p0 $0x30, v7  }
0x109: {  	v3 =	vand.u32 @!p0 $0x7, v3  }
0x10a: {  	v3 =	vor.u32 @!p0 v3, v7  }
0x10b: {  	v7 =	vperm.xlane @!p0 v3, v4;
	_ =	sdelay $0x1  }
0x10c: {  	v7 =	vadd.s32 @!p0 v6, v7;
	_ =	sdelay $0x3  }
0x10d: {  	s30 =	simm.s32 @!p0 $0x7800;
	v3 =	vperm.xlane @!p0 v3, v5  }
0x10e: {  	[tilespmem:s30], [sflag:$0x2] =	stream.indirect_vreg.gather @!p0 [hbm4b:s1+s29], $0x80, v7, vm1, $0xb8;
	[tilespmem:$0x19800] =	vst v63  }
0x10f: {  	v3 =	vadd.s32 @!p0 v6, v3;
	s30 =	simm.s32 @!p0 $0x8000  }
0x110: {  	[tilespmem:s30], [sflag:$0x2] =	stream.indirect_vreg.gather @!p0 [hbm4b:s5+s29], $0x80, v7, vm1, $0xb8;
	[tilespmem:$0x19800] =	vst v63  }
0x111: {  	s30 =	simm.s32 @!p0 $0x8800  }
0x112: {  	[tilespmem:s30], [sflag:$0x2] =	stream.indirect_vreg.gather @!p0 [hbm4b:s6+s29], $0x80, v7, vm1, $0xb8;
	[tilespmem:$0x19800] =	vst v63  }
0x113: {  	s30 =	simm.s32 @!p0 $0x9000  }
0x114: {  	[tilespmem:s30], [sflag:$0x2] =	stream.indirect_vreg.gather @!p0 [hbm4b:s1+s29], $0x80, v3, vm1, $0xb8;
	[tilespmem:$0x19800] =	vst v63  }
0x115: {  	s30 =	simm.s32 @!p0 $0x9800  }
0x116: {  	[tilespmem:s30], [sflag:$0x2] =	stream.indirect_vreg.gather @!p0 [hbm4b:s5+s29], $0x80, v3, vm1, $0xb8;
	[tilespmem:$0x19800] =	vst v63  }
0x117: {  	s30 =	simm.s32 @!p0 $0xA000  }
0x118: {  	[tilespmem:s30], [sflag:$0x2] =	stream.indirect_vreg.gather @!p0 [hbm4b:s6+s29], $0x80, v3, vm1, $0xb8;
	[tilespmem:$0x19800] =	vst v63  }
0x119: {  	v3 =	vld @!p0 [tilespmem:s26+$0x100];
	_ =	sdelay $0x4  }
0x11a: {  	v7 =	vshrl.u32 @!p0 v3, $0x3  }
0x11b: {  	v7 =	vmul.u32 @!p0 $0x30, v7  }
0x11c: {  	v3 =	vand.u32 @!p0 $0x7, v3  }
0x11d: {  	v3 =	vor.u32 @!p0 v3, v7  }
0x11e: {  	v4 =	vperm.xlane @!p0 v3, v4;
	_ =	sdelay $0x1  }
0x11f: {  	v4 =	vadd.s32 @!p0 v6, v4;
	_ =	sdelay $0x3  }
0x120: {  	s30 =	simm.s32 @!p0 $0xA800;
	v3 =	vperm.xlane @!p0 v3, v5  }
0x121: {  	[tilespmem:s30], [sflag:$0x2] =	stream.indirect_vreg.gather @!p0 [hbm4b:s1+s29], $0x80, v4, vm1, $0xb8;
	[tilespmem:$0x19800] =	vst v63  }
0x122: {  	v3 =	vadd.s32 @!p0 v6, v3;
	s30 =	simm.s32 @!p0 $0xB000  }
0x123: {  	[tilespmem:s30], [sflag:$0x2] =	stream.indirect_vreg.gather @!p0 [hbm4b:s5+s29], $0x80, v4, vm1, $0xb8;
	[tilespmem:$0x19800] =	vst v63  }
0x124: {  	s30 =	simm.s32 @!p0 $0xB800  }
0x125: {  	[tilespmem:s30], [sflag:$0x2] =	stream.indirect_vreg.gather @!p0 [hbm4b:s6+s29], $0x80, v4, vm1, $0xb8;
	[tilespmem:$0x19800] =	vst v63  }
0x126: {  	s30 =	simm.s32 @!p0 $0xC000  }
0x127: {  	[tilespmem:s30], [sflag:$0x2] =	stream.indirect_vreg.gather @!p0 [hbm4b:s1+s29], $0x80, v3, vm1, $0xb8;
	[tilespmem:$0x19800] =	vst v63  }
0x128: {  	s30 =	simm.s32 @!p0 $0xC800  }
0x129: {  	[tilespmem:s30], [sflag:$0x2] =	stream.indirect_vreg.gather @!p0 [hbm4b:s5+s29], $0x80, v3, vm1, $0xb8;
	[tilespmem:$0x19800] =	vst v63  }
0x12a: {  	s30 =	simm.s32 @!p0 $0xD000  }
0x12b: {  	[tilespmem:s30], [sflag:$0x2] =	stream.indirect_vreg.gather @!p0 [hbm4b:s6+s29], $0x80, v3, vm1, $0xb8;
	[tilespmem:$0x19800] =	vst v63  }
.Ltmp2:
0x12c: {  	_ = 	snop;
	(pc) =	sbr.rel @p0 .LBB2_4-.Ltmp2, $4  }
0x12d: {  	_ =	swait.ge [sflag:s23], $0x6000  }
0x12e: {  	[sflag:s23] =	ssyncset.done $0x0  }
0x12f: {  	s30 =	sadd.s32 s28, s8;
	[sflag:s23] =	ssyncadd.s32 $0xFFFFA000  }
0x130: {  	[hbm4b:s30+s3] =	stream.linear.scatter [tilespmem:s2], [sflag:$0x8], $0x6000, $0x38;
	[tilespmem:$0x19800] =	vst v63  }
0x131: {  	_ =	swait.ge [sflag:s24], $0x6000  }
0x132: {  	[sflag:s24] =	ssyncset.done $0x0  }
0x133: {  	[sflag:s24] =	ssyncadd.s32 $0xFFFFA000  }
0x134: {  	v3 =	vld [tilespmem:s26+$0x170];
	_ =	sdelay $0x4  }
0x135: {  	v4 =	vshrl.u32 v3, $0x3  }
0x136: {  	v4 =	vmul.u32 $0x30, v4  }
0x137: {  	v3 =	vand.u32 $0x7, v3  }
0x138: {  	v3 =	vor.u32 v3, v4  }
0x139: {  	v4 =	vperm.xlane v3, v0;
	_ =	sdelay $0x1  }
0x13a: {  	v4 =	vadd.s32 v1, v4;
	_ =	sdelay $0x3  }
0x13b: {  	v3 =	vperm.xlane v3, v2  }
0x13c: {  	[tilespmem:s18], [sflag:$0x3] =	stream.indirect_vreg.gather [hbm4b:s1+s3], $0x80, v4, vm0, $0xb8;
	[tilespmem:$0x19800] =	vst v63  }
0x13d: {  	s29 =	simm.s32 $0xE000;
	v3 =	vadd.s32 v1, v3  }
0x13e: {  	[tilespmem:s29], [sflag:$0x3] =	stream.indirect_vreg.gather [hbm4b:s5+s3], $0x80, v4, vm0, $0xb8;
	[tilespmem:$0x19800] =	vst v63  }
0x13f: {  	s30 =	simm.s32 $0xE800  }
0x140: {  	[tilespmem:s30], [sflag:$0x3] =	stream.indirect_vreg.gather [hbm4b:s6+s3], $0x80, v4, vm0, $0xb8;
	[tilespmem:$0x19800] =	vst v63  }
0x141: {  	s30 =	simm.s32 $0xF000  }
0x142: {  	[tilespmem:s30], [sflag:$0x3] =	stream.indirect_vreg.gather [hbm4b:s1+s3], $0x80, v3, vm0, $0xb8;
	[tilespmem:$0x19800] =	vst v63  }
0x143: {  	s30 =	simm.s32 $0xF800  }
0x144: {  	[tilespmem:s30], [sflag:$0x3] =	stream.indirect_vreg.gather [hbm4b:s5+s3], $0x80, v3, vm0, $0xb8;
	[tilespmem:$0x19800] =	vst v63  }
0x145: {  	s30 =	simm.s32 $0x10000  }
0x146: {  	[tilespmem:s30], [sflag:$0x3] =	stream.indirect_vreg.gather [hbm4b:s6+s3], $0x80, v3, vm0, $0xb8;
	[tilespmem:$0x19800] =	vst v63  }
0x147: {  	v3 =	vld [tilespmem:s26+$0x180];
	_ =	sdelay $0x4  }
0x148: {  	v63 =	vshrl.u32 v3, $0x3  }
0x149: {  	v4 =	vmul.u32 $0x30, v63  }
0x14a: {  	v3 =	vand.u32 $0x7, v3  }
0x14b: {  	v3 =	vor.u32 v3, v4  }
0x14c: {  	v4 =	vperm.xlane v3, v0;
	_ =	sdelay $0x1  }
0x14d: {  	v4 =	vadd.s32 v1, v4;
	_ =	sdelay $0x3  }
0x14e: {  	s30 =	simm.s32 $0x10800;
	v3 =	vperm.xlane v3, v2  }
0x14f: {  	[tilespmem:s30], [sflag:$0x3] =	stream.indirect_vreg.gather [hbm4b:s1+s3], $0x80, v4, vm0, $0xb8;
	[tilespmem:$0x19800] =	vst v63  }
0x150: {  	v3 =	vadd.s32 v1, v3;
	s30 =	simm.s32 $0x11000  }
0x151: {  	[tilespmem:s30], [sflag:$0x3] =	stream.indirect_vreg.gather [hbm4b:s5+s3], $0x80, v4, vm0, $0xb8;
	[tilespmem:$0x19800] =	vst v63  }
0x152: {  	s30 =	simm.s32 $0x11800  }
0x153: {  	[tilespmem:s30], [sflag:$0x3] =	stream.indirect_vreg.gather [hbm4b:s6+s3], $0x80, v4, vm0, $0xb8;
	[tilespmem:$0x19800] =	vst v63  }
0x154: {  	s30 =	simm.s32 $0x12000  }
0x155: {  	[tilespmem:s30], [sflag:$0x3] =	stream.indirect_vreg.gather [hbm4b:s1+s3], $0x80, v3, vm0, $0xb8;
	[tilespmem:$0x19800] =	vst v63  }
.Ltmp3:
0x156: {  	_ = 	snop;
	(pc) =	sbr.rel .LBB2_2-.Ltmp3, $4  }
0x157: {  	s30 =	simm.s32 $0x12800  }
0x158: {  	[tilespmem:s30], [sflag:$0x3] =	stream.indirect_vreg.gather [hbm4b:s5+s3], $0x80, v3, vm0, $0xb8;
	[tilespmem:$0x19800] =	vst v63  }
0x159: {  	s28 =	sadd.s32 $0x3000, s28;
	s26 =	sadd.s32 $0x200, s26  }
0x15a: {  	[tilespmem:s31], [sflag:$0x3] =	stream.indirect_vreg.gather [hbm4b:s6+s3], $0x80, v3, vm0, $0xb8;
	[tilespmem:$0x19800] =	vst v63  }
.LBB2_5:
0x15b: {  	_ =	sfence.sel $0x180000  }
0x15c: {  	[bflag:$0x0] =	sbarrier.arrive $0xFFFF  }
0x15d: {  	_ =	strace $0x90000047  }
0x15e: {  	s0 =	stileid.u32;
	[bflag:$0x2] =	sbarrier.arrive $0xFFFF  }
0x15f: {  	p0 =	sne.s32 s0, $0x0;
	s0 =	rddreg [dreg:$0x3]  }
0x160: {  	s0 =	sadd.s32 @!p0 $0x100000, s0  }
0x161: {  	[sflag:s0] =	ssyncadd.tile.s32 @!p0 $0x1;
	_ =	shalt  }
.Lfunc_end2:
_tile_overlayer_lowered:
.L_overlay_start_2:
0x162: {  	(tag) =	ssettag $0x2  }
0x163: {  	s0 =	rddreg [dreg:$0x0];
	s2 =	stileid.u32  }
0x164: {  	s1 =	rddreg [dreg:$0x1];
	p0 =	sne.s32 s2, $0x0  }
0x165: {  	s3 =	rddreg [dreg:$0x2];
	[bflag:$0x3] =	sbarrier.arrive $0xFFFF;
	s2 =	simm.s32 @!p0 $0x1C09  }
0x166: {  	[timem:s3], [sflag:s2] =	dma.local @!p0 [hbm:s0], s1  }
0x167: {  	s0 =	simm.s32 @!p0 $0x9  }
0x168: {  	_ =	swait.ge @!p0 [sflag:s0], s1  }
0x169: {  	s1 =	ssub.s32 @!p0 $0x0, s1;
	[sflag:s0] =	ssyncset.done @!p0 $0x0  }
0x16a: {  	[sflag:s0] =	ssyncadd.s32 @!p0 s1  }
0x16b: {  	[bflag:$0x3] =	sbarrier.arrive $0xFFFF  }
0x16c: {  	_ =	shalt  }

</sc_bundles>
